<compile_context>
chip_gen: v7x
topology: tpu7x:2x2x1
jax: 0.10.2.dev20260603
libtpu: 0.0.44.dev20260713+nightly
codegen_flags: <defaults>
</compile_context>

<pallas_src>
import functools

import jax
import jax.numpy as jnp
from jax import lax
from jax.experimental import pallas as pl
from jax.experimental.pallas import tpu as pltpu
from jax.experimental.pallas import tpu_sc as plsc

_BATCH = 16384
_D = 32
_L = 16
_NC = 2
_NS = 16
_NW = _NC * _NS
_CH = 128
_ROWS = _BATCH // _CH
_RPW = _ROWS // _NW


def _sc_partials(u2, i2, m0, m1, user_emb, item_emb, meta_emb0, meta_emb1):
    mesh = plsc.VectorSubcoreMesh(core_axis_name="c", subcore_axis_name="s")

    @functools.partial(
        pl.kernel,
        mesh=mesh,
        compiler_params=pltpu.CompilerParams(use_tc_tiling_on_sc=False),
        out_type=jax.ShapeDtypeStruct((_ROWS, _CH * _L), jnp.float32),
        scratch_types=[
            pltpu.VMEM((_RPW, _CH), jnp.int32),
            pltpu.VMEM((_RPW, _CH), jnp.int32),
            pltpu.VMEM((_RPW, _CH), jnp.int32),
            pltpu.VMEM((_RPW, _CH), jnp.int32),
            pltpu.VMEM((_RPW, _CH, _D), jnp.float32),
            pltpu.VMEM((_RPW, _CH, _D), jnp.float32),
            pltpu.VMEM((_RPW, _CH, _D), jnp.float32),
            pltpu.VMEM((_RPW, _CH, _D), jnp.float32),
            pltpu.VMEM((_RPW, _CH * _L), jnp.float32),
            pltpu.SemaphoreType.DMA,
        ],
    )
    def k(u_hbm, i_hbm, m0_hbm, m1_hbm, ue_hbm, ie_hbm, me0_hbm, me1_hbm,
          out_hbm, uix, iix, m0ix, m1ix, ubuf, ibuf, m0buf, m1buf, obuf, sem):
        wid = lax.axis_index("s") * _NC + lax.axis_index("c")
        r0 = wid * _RPW
        pltpu.sync_copy(u_hbm.at[pl.ds(r0, _RPW)], uix)
        pltpu.sync_copy(i_hbm.at[pl.ds(r0, _RPW)], iix)
        pltpu.sync_copy(m0_hbm.at[pl.ds(r0, _RPW)], m0ix)
        pltpu.sync_copy(m1_hbm.at[pl.ds(r0, _RPW)], m1ix)
        cps = []
        for c in range(_RPW):
            cps.append(pltpu.async_copy(ue_hbm.at[uix.at[c]], ubuf.at[c], sem))
            cps.append(pltpu.async_copy(ie_hbm.at[iix.at[c]], ibuf.at[c], sem))
            cps.append(pltpu.async_copy(me0_hbm.at[m0ix.at[c]], m0buf.at[c], sem))
            cps.append(pltpu.async_copy(me1_hbm.at[m1ix.at[c]], m1buf.at[c], sem))
        for cp in cps:
            cp.wait()
        for c in range(_RPW):
            def body(j, carry, c=c):
                ue0 = ubuf[c, j, pl.ds(0, _L)]
                ue1 = ubuf[c, j, pl.ds(_L, _L)]
                t0 = ibuf[c, j, pl.ds(0, _L)] + m0buf[c, j, pl.ds(0, _L)] \
                    + m1buf[c, j, pl.ds(0, _L)]
                t1 = ibuf[c, j, pl.ds(_L, _L)] + m0buf[c, j, pl.ds(_L, _L)] \
                    + m1buf[c, j, pl.ds(_L, _L)]
                obuf[c, pl.ds(j * _L, _L)] = ue0 * t0 + ue1 * t1
                return carry
            lax.fori_loop(0, _CH, body, 0)
        pltpu.sync_copy(obuf, out_hbm.at[pl.ds(r0, _RPW)])

    return k(u2, i2, m0, m1, user_emb, item_emb, meta_emb0, meta_emb1)


def _tc_reduce(p):
    def body(p_ref, o_ref):
        o_ref[...] = jnp.sum(p_ref[...], axis=1, keepdims=True)

    return pl.pallas_call(
        body,
        out_shape=jax.ShapeDtypeStruct((_BATCH, 1), jnp.float32),
    )(p)


def kernel(user, item, metadata, user_emb, item_emb, meta_emb0, meta_emb1,
           user_bias, item_bias):
    u2 = user.astype(jnp.int32).reshape(_ROWS, _CH)
    i2 = item.astype(jnp.int32).reshape(_ROWS, _CH)
    m0 = metadata[:, 0].astype(jnp.int32).reshape(_ROWS, _CH)
    m1 = metadata[:, 1].astype(jnp.int32).reshape(_ROWS, _CH)
    p = _sc_partials(u2, i2, m0, m1, user_emb, item_emb, meta_emb0, meta_emb1)
    return _tc_reduce(p.reshape(_BATCH, _L))

# --- scband reference (transcript-rebuilt; emitter-appended) ---
"""Pipeline reference for scband-linear-32392643346887 (READ-ONLY COPY).

The authoritative reference and input builder live on the scoring server;
editing this copy changes nothing except your own understanding.
"""

import jax, jax.numpy as jnp
import numpy as np

N_USERS = 1000000
N_ITEMS = 1000000
N_FACTORS = 32
META_SIZES = (1000, 100000)
BATCH = 16384


def setup_inputs(seed: int = 0) -> dict:
    key = jax.random.key(seed)
    ks = jax.random.split(key, 8)
    user = jax.random.randint(ks[0], (BATCH,), 0, N_USERS, dtype=jnp.int64 if jax.config.jax_enable_x64 else jnp.int32)
    item = jax.random.randint(ks[1], (BATCH,), 0, N_ITEMS, dtype=jnp.int64 if jax.config.jax_enable_x64 else jnp.int32)
    metadata = jax.random.randint(ks[2], (BATCH, 2), 0, 1000, dtype=jnp.int64 if jax.config.jax_enable_x64 else jnp.int32)
    # ScaledEmbedding: normal init scaled by 1/n_factors
    user_emb = jax.random.normal(ks[3], (N_USERS, N_FACTORS), dtype=jnp.float32) / N_FACTORS
    item_emb = jax.random.normal(ks[4], (N_ITEMS, N_FACTORS), dtype=jnp.float32) / N_FACTORS
    meta_emb0 = jax.random.normal(ks[5], (META_SIZES[0], N_FACTORS), dtype=jnp.float32) / N_FACTORS
    meta_emb1 = jax.random.normal(ks[6], (META_SIZES[1], N_FACTORS), dtype=jnp.float32) / N_FACTORS
    # ZeroEmbedding: zero init
    user_bias = jnp.zeros((N_USERS, 1), dtype=jnp.float32)
    item_bias = jnp.zeros((N_ITEMS, 1), dtype=jnp.float32)
    return {
        "user": user,
        "item": item,
        "metadata": metadata,
        "user_emb": user_emb,
        "item_emb": item_emb,
        "meta_emb0": meta_emb0,
        "meta_emb1": meta_emb1,
        "user_bias": user_bias,
        "item_bias": item_bias,
    }


def reference(user, item, metadata, user_emb, item_emb, meta_emb0, meta_emb1, user_bias, item_bias):
    ub = jnp.take(user_bias, user, axis=0)
    ib = jnp.take(item_bias, item, axis=0)
    ue = jnp.take(user_emb, user, axis=0)
    ie = jnp.take(item_emb, item, axis=0)
    # item embedding is sum of item ID embedding and metadata embeddings
    ie = ie + jnp.take(meta_emb0, metadata[:, 0], axis=0)
    ie = ie + jnp.take(meta_emb1, metadata[:, 1], axis=0)
    net = jnp.sum(ue * ie, axis=1).reshape(-1, 1) + ub + ib
    return net

if __name__ == "__main__":
    import jax
    _d = setup_inputs()
    print(jax.jit(kernel)(*tuple(_d.values())))

</pallas_src>

<mosaic_0001>
#map = affine_map<(d0, d1) -> (0, 0)>
module attributes {stable_mosaic.version = 14 : i64} {
  func.func @k(%arg0: i32, %arg1: i32, %arg2: memref<128x128xi32, #tpu.memory_space<hbm>>, %arg3: memref<128x128xi32, #tpu.memory_space<hbm>>, %arg4: memref<128x128xi32, #tpu.memory_space<hbm>>, %arg5: memref<128x128xi32, #tpu.memory_space<hbm>>, %arg6: memref<1000000x32xf32, #tpu.memory_space<hbm>>, %arg7: memref<1000000x32xf32, #tpu.memory_space<hbm>>, %arg8: memref<1000x32xf32, #tpu.memory_space<hbm>>, %arg9: memref<100000x32xf32, #tpu.memory_space<hbm>>, %arg10: memref<128x2048xf32, #tpu.memory_space<hbm>>, %arg11: memref<4x128xi32, #tpu.memory_space<vmem>>, %arg12: memref<4x128xi32, #tpu.memory_space<vmem>>, %arg13: memref<4x128xi32, #tpu.memory_space<vmem>>, %arg14: memref<4x128xi32, #tpu.memory_space<vmem>>, %arg15: memref<4x128x32xf32, #tpu.memory_space<vmem>>, %arg16: memref<4x128x32xf32, #tpu.memory_space<vmem>>, %arg17: memref<4x128x32xf32, #tpu.memory_space<vmem>>, %arg18: memref<4x128x32xf32, #tpu.memory_space<vmem>>, %arg19: memref<4x2048xf32, #tpu.memory_space<vmem>>, %arg20: memref<!tpu.dma_semaphore, #tpu.memory_space<semaphore_mem>>) attributes {dimension_semantics = [#tpu.dimension_semantics<core_parallel>, #tpu.dimension_semantics<subcore_parallel>], iteration_bounds = array<i64: 2, 16>, scalar_prefetch = 0 : i64, scratch_operands = 10 : i64, tpu.core_type = #tpu.core_type<sc_vector_subcore>, window_params = [{transform_indices = #map}, {transform_indices = #map}, {transform_indices = #map}, {transform_indices = #map}, {transform_indices = #map}, {transform_indices = #map}, {transform_indices = #map}, {transform_indices = #map}, {transform_indices = #map}]} {
    %mul3A = arith.constant 2 : i32
    %mul3A_0 = arith.muli %arg1, %mul3A : i32
    %add3A = arith.addi %mul3A_0, %arg0 : i32
    %mul3A_1 = arith.constant 4 : i32
    %mul3A_2 = arith.muli %add3A, %mul3A_1 : i32
    "tpu.region"() ({
      %run_scoped3A = tpu.sem_alloc : memref<!tpu.dma_semaphore, #tpu.memory_space<semaphore_mem>>
      %dma_start3A_408 = arith.constant 0 : i32
      %dma_start3A_409 = tpu.memref_slice %arg2[%mul3A_2, %dma_start3A_408] : memref<128x128xi32, #tpu.memory_space<hbm>> -> memref<4x128xi32, #tpu.memory_space<hbm>>
      %dma_start3A_410 = arith.constant 0 : i32
      %dma_start3A_411 = tpu.memref_slice %arg2[%mul3A_2, %dma_start3A_410] : memref<128x128xi32, #tpu.memory_space<hbm>> -> memref<4x128xi32, #tpu.memory_space<hbm>>
      tpu.enqueue_dma source(%dma_start3A_411 : memref<4x128xi32, #tpu.memory_space<hbm>>) target(%arg11 : memref<4x128xi32, #tpu.memory_space<vmem>>) target_semaphore(%run_scoped3A : memref<!tpu.dma_semaphore, #tpu.memory_space<semaphore_mem>>)
      %dma_wait3A_412 = arith.constant 0 : i32
      %dma_wait3A_413 = tpu.memref_slice %arg2[%mul3A_2, %dma_wait3A_412] : memref<128x128xi32, #tpu.memory_space<hbm>> -> memref<4x128xi32, #tpu.memory_space<hbm>>
      %dma_wait3A_414 = arith.constant 0 : i32
      %dma_wait3A_415 = tpu.memref_slice %arg2[%mul3A_2, %dma_wait3A_414] : memref<128x128xi32, #tpu.memory_space<hbm>> -> memref<4x128xi32, #tpu.memory_space<hbm>>
      tpu.wait_dma2 semaphore(%run_scoped3A : memref<!tpu.dma_semaphore, #tpu.memory_space<semaphore_mem>>) src(%dma_wait3A_415 : memref<4x128xi32, #tpu.memory_space<hbm>>) dst(%arg11 : memref<4x128xi32, #tpu.memory_space<vmem>>)
      tpu.yield
    }) : () -> ()
    "tpu.region"() ({
      %run_scoped3A = tpu.sem_alloc : memref<!tpu.dma_semaphore, #tpu.memory_space<semaphore_mem>>
      %dma_start3A_408 = arith.constant 0 : i32
      %dma_start3A_409 = tpu.memref_slice %arg3[%mul3A_2, %dma_start3A_408] : memref<128x128xi32, #tpu.memory_space<hbm>> -> memref<4x128xi32, #tpu.memory_space<hbm>>
      %dma_start3A_410 = arith.constant 0 : i32
      %dma_start3A_411 = tpu.memref_slice %arg3[%mul3A_2, %dma_start3A_410] : memref<128x128xi32, #tpu.memory_space<hbm>> -> memref<4x128xi32, #tpu.memory_space<hbm>>
      tpu.enqueue_dma source(%dma_start3A_411 : memref<4x128xi32, #tpu.memory_space<hbm>>) target(%arg12 : memref<4x128xi32, #tpu.memory_space<vmem>>) target_semaphore(%run_scoped3A : memref<!tpu.dma_semaphore, #tpu.memory_space<semaphore_mem>>)
      %dma_wait3A_412 = arith.constant 0 : i32
      %dma_wait3A_413 = tpu.memref_slice %arg3[%mul3A_2, %dma_wait3A_412] : memref<128x128xi32, #tpu.memory_space<hbm>> -> memref<4x128xi32, #tpu.memory_space<hbm>>
      %dma_wait3A_414 = arith.constant 0 : i32
      %dma_wait3A_415 = tpu.memref_slice %arg3[%mul3A_2, %dma_wait3A_414] : memref<128x128xi32, #tpu.memory_space<hbm>> -> memref<4x128xi32, #tpu.memory_space<hbm>>
      tpu.wait_dma2 semaphore(%run_scoped3A : memref<!tpu.dma_semaphore, #tpu.memory_space<semaphore_mem>>) src(%dma_wait3A_415 : memref<4x128xi32, #tpu.memory_space<hbm>>) dst(%arg12 : memref<4x128xi32, #tpu.memory_space<vmem>>)
      tpu.yield
    }) : () -> ()
    "tpu.region"() ({
      %run_scoped3A = tpu.sem_alloc : memref<!tpu.dma_semaphore, #tpu.memory_space<semaphore_mem>>
      %dma_start3A_408 = arith.constant 0 : i32
      %dma_start3A_409 = tpu.memref_slice %arg4[%mul3A_2, %dma_start3A_408] : memref<128x128xi32, #tpu.memory_space<hbm>> -> memref<4x128xi32, #tpu.memory_space<hbm>>
      %dma_start3A_410 = arith.constant 0 : i32
      %dma_start3A_411 = tpu.memref_slice %arg4[%mul3A_2, %dma_start3A_410] : memref<128x128xi32, #tpu.memory_space<hbm>> -> memref<4x128xi32, #tpu.memory_space<hbm>>
      tpu.enqueue_dma source(%dma_start3A_411 : memref<4x128xi32, #tpu.memory_space<hbm>>) target(%arg13 : memref<4x128xi32, #tpu.memory_space<vmem>>) target_semaphore(%run_scoped3A : memref<!tpu.dma_semaphore, #tpu.memory_space<semaphore_mem>>)
      %dma_wait3A_412 = arith.constant 0 : i32
      %dma_wait3A_413 = tpu.memref_slice %arg4[%mul3A_2, %dma_wait3A_412] : memref<128x128xi32, #tpu.memory_space<hbm>> -> memref<4x128xi32, #tpu.memory_space<hbm>>
      %dma_wait3A_414 = arith.constant 0 : i32
      %dma_wait3A_415 = tpu.memref_slice %arg4[%mul3A_2, %dma_wait3A_414] : memref<128x128xi32, #tpu.memory_space<hbm>> -> memref<4x128xi32, #tpu.memory_space<hbm>>
      tpu.wait_dma2 semaphore(%run_scoped3A : memref<!tpu.dma_semaphore, #tpu.memory_space<semaphore_mem>>) src(%dma_wait3A_415 : memref<4x128xi32, #tpu.memory_space<hbm>>) dst(%arg13 : memref<4x128xi32, #tpu.memory_space<vmem>>)
      tpu.yield
    }) : () -> ()
    "tpu.region"() ({
      %run_scoped3A = tpu.sem_alloc : memref<!tpu.dma_semaphore, #tpu.memory_space<semaphore_mem>>
      %dma_start3A_408 = arith.constant 0 : i32
      %dma_start3A_409 = tpu.memref_slice %arg5[%mul3A_2, %dma_start3A_408] : memref<128x128xi32, #tpu.memory_space<hbm>> -> memref<4x128xi32, #tpu.memory_space<hbm>>
      %dma_start3A_410 = arith.constant 0 : i32
      %dma_start3A_411 = tpu.memref_slice %arg5[%mul3A_2, %dma_start3A_410] : memref<128x128xi32, #tpu.memory_space<hbm>> -> memref<4x128xi32, #tpu.memory_space<hbm>>
      tpu.enqueue_dma source(%dma_start3A_411 : memref<4x128xi32, #tpu.memory_space<hbm>>) target(%arg14 : memref<4x128xi32, #tpu.memory_space<vmem>>) target_semaphore(%run_scoped3A : memref<!tpu.dma_semaphore, #tpu.memory_space<semaphore_mem>>)
      %dma_wait3A_412 = arith.constant 0 : i32
      %dma_wait3A_413 = tpu.memref_slice %arg5[%mul3A_2, %dma_wait3A_412] : memref<128x128xi32, #tpu.memory_space<hbm>> -> memref<4x128xi32, #tpu.memory_space<hbm>>
      %dma_wait3A_414 = arith.constant 0 : i32
      %dma_wait3A_415 = tpu.memref_slice %arg5[%mul3A_2, %dma_wait3A_414] : memref<128x128xi32, #tpu.memory_space<hbm>> -> memref<4x128xi32, #tpu.memory_space<hbm>>
      tpu.wait_dma2 semaphore(%run_scoped3A : memref<!tpu.dma_semaphore, #tpu.memory_space<semaphore_mem>>) src(%dma_wait3A_415 : memref<4x128xi32, #tpu.memory_space<hbm>>) dst(%arg14 : memref<4x128xi32, #tpu.memory_space<vmem>>)
      tpu.yield
    }) : () -> ()
    %dma_start3A = arith.constant 0 : i32
    %dma_start3A_3 = arith.constant 0 : i32
    %dma_start3A_4 = arith.constant 0 : i32
    %dma_start3A_5 = arith.constant 0 : i32
    %dma_start3A_6 = tpu.memref_slice %arg15[%dma_start3A_3, %dma_start3A_4, %dma_start3A_5] : memref<4x128x32xf32, #tpu.memory_space<vmem>> -> memref<1x128x32xf32, #tpu.memory_space<vmem>>
    %dma_start3A_7 = tpu.memref_squeeze %dma_start3A_6 : memref<1x128x32xf32, #tpu.memory_space<vmem>> -> memref<128x32xf32, #tpu.memory_space<vmem>>
    %dma_start3A_8 = arith.constant 0 : i32
    %dma_start3A_9 = tpu.memref_slice %arg11[%dma_start3A, %dma_start3A_8] : memref<4x128xi32, #tpu.memory_space<vmem>> -> memref<1x128xi32, #tpu.memory_space<vmem>>
    %dma_start3A_10 = tpu.memref_squeeze %dma_start3A_9 : memref<1x128xi32, #tpu.memory_space<vmem>> -> memref<128xi32, #tpu.memory_space<vmem>>
    %dma_start3A_11 = arith.constant 0 : i32
    %dma_start3A_12 = arith.constant 0 : i32
    %dma_start3A_13 = tpu.memref_slice %arg6[%dma_start3A_11, %dma_start3A_12] : memref<1000000x32xf32, #tpu.memory_space<hbm>> -> memref<1000000x32xf32, #tpu.memory_space<hbm>>
    tpu.enqueue_indirect_dma source(%dma_start3A_13 : memref<1000000x32xf32, #tpu.memory_space<hbm>>) target(%dma_start3A_7 : memref<128x32xf32, #tpu.memory_space<vmem>>) offsets(%dma_start3A_10 : memref<128xi32, #tpu.memory_space<vmem>>) semaphore(%arg20 : memref<!tpu.dma_semaphore, #tpu.memory_space<semaphore_mem>>)
    %dma_start3A_14 = arith.constant 0 : i32
    %dma_start3A_15 = arith.constant 0 : i32
    %dma_start3A_16 = arith.constant 0 : i32
    %dma_start3A_17 = arith.constant 0 : i32
    %dma_start3A_18 = tpu.memref_slice %arg16[%dma_start3A_15, %dma_start3A_16, %dma_start3A_17] : memref<4x128x32xf32, #tpu.memory_space<vmem>> -> memref<1x128x32xf32, #tpu.memory_space<vmem>>
    %dma_start3A_19 = tpu.memref_squeeze %dma_start3A_18 : memref<1x128x32xf32, #tpu.memory_space<vmem>> -> memref<128x32xf32, #tpu.memory_space<vmem>>
    %dma_start3A_20 = arith.constant 0 : i32
    %dma_start3A_21 = tpu.memref_slice %arg12[%dma_start3A_14, %dma_start3A_20] : memref<4x128xi32, #tpu.memory_space<vmem>> -> memref<1x128xi32, #tpu.memory_space<vmem>>
    %dma_start3A_22 = tpu.memref_squeeze %dma_start3A_21 : memref<1x128xi32, #tpu.memory_space<vmem>> -> memref<128xi32, #tpu.memory_space<vmem>>
    %dma_start3A_23 = arith.constant 0 : i32
    %dma_start3A_24 = arith.constant 0 : i32
    %dma_start3A_25 = tpu.memref_slice %arg7[%dma_start3A_23, %dma_start3A_24] : memref<1000000x32xf32, #tpu.memory_space<hbm>> -> memref<1000000x32xf32, #tpu.memory_space<hbm>>
    tpu.enqueue_indirect_dma source(%dma_start3A_25 : memref<1000000x32xf32, #tpu.memory_space<hbm>>) target(%dma_start3A_19 : memref<128x32xf32, #tpu.memory_space<vmem>>) offsets(%dma_start3A_22 : memref<128xi32, #tpu.memory_space<vmem>>) semaphore(%arg20 : memref<!tpu.dma_semaphore, #tpu.memory_space<semaphore_mem>>)
    %dma_start3A_26 = arith.constant 0 : i32
    %dma_start3A_27 = arith.constant 0 : i32
    %dma_start3A_28 = arith.constant 0 : i32
    %dma_start3A_29 = arith.constant 0 : i32
    %dma_start3A_30 = tpu.memref_slice %arg17[%dma_start3A_27, %dma_start3A_28, %dma_start3A_29] : memref<4x128x32xf32, #tpu.memory_space<vmem>> -> memref<1x128x32xf32, #tpu.memory_space<vmem>>
    %dma_start3A_31 = tpu.memref_squeeze %dma_start3A_30 : memref<1x128x32xf32, #tpu.memory_space<vmem>> -> memref<128x32xf32, #tpu.memory_space<vmem>>
    %dma_start3A_32 = arith.constant 0 : i32
    %dma_start3A_33 = tpu.memref_slice %arg13[%dma_start3A_26, %dma_start3A_32] : memref<4x128xi32, #tpu.memory_space<vmem>> -> memref<1x128xi32, #tpu.memory_space<vmem>>
    %dma_start3A_34 = tpu.memref_squeeze %dma_start3A_33 : memref<1x128xi32, #tpu.memory_space<vmem>> -> memref<128xi32, #tpu.memory_space<vmem>>
    %dma_start3A_35 = arith.constant 0 : i32
    %dma_start3A_36 = arith.constant 0 : i32
    %dma_start3A_37 = tpu.memref_slice %arg8[%dma_start3A_35, %dma_start3A_36] : memref<1000x32xf32, #tpu.memory_space<hbm>> -> memref<1000x32xf32, #tpu.memory_space<hbm>>
    tpu.enqueue_indirect_dma source(%dma_start3A_37 : memref<1000x32xf32, #tpu.memory_space<hbm>>) target(%dma_start3A_31 : memref<128x32xf32, #tpu.memory_space<vmem>>) offsets(%dma_start3A_34 : memref<128xi32, #tpu.memory_space<vmem>>) semaphore(%arg20 : memref<!tpu.dma_semaphore, #tpu.memory_space<semaphore_mem>>)
    %dma_start3A_38 = arith.constant 0 : i32
    %dma_start3A_39 = arith.constant 0 : i32
    %dma_start3A_40 = arith.constant 0 : i32
    %dma_start3A_41 = arith.constant 0 : i32
    %dma_start3A_42 = tpu.memref_slice %arg18[%dma_start3A_39, %dma_start3A_40, %dma_start3A_41] : memref<4x128x32xf32, #tpu.memory_space<vmem>> -> memref<1x128x32xf32, #tpu.memory_space<vmem>>
    %dma_start3A_43 = tpu.memref_squeeze %dma_start3A_42 : memref<1x128x32xf32, #tpu.memory_space<vmem>> -> memref<128x32xf32, #tpu.memory_space<vmem>>
    %dma_start3A_44 = arith.constant 0 : i32
    %dma_start3A_45 = tpu.memref_slice %arg14[%dma_start3A_38, %dma_start3A_44] : memref<4x128xi32, #tpu.memory_space<vmem>> -> memref<1x128xi32, #tpu.memory_space<vmem>>
    %dma_start3A_46 = tpu.memref_squeeze %dma_start3A_45 : memref<1x128xi32, #tpu.memory_space<vmem>> -> memref<128xi32, #tpu.memory_space<vmem>>
    %dma_start3A_47 = arith.constant 0 : i32
    %dma_start3A_48 = arith.constant 0 : i32
    %dma_start3A_49 = tpu.memref_slice %arg9[%dma_start3A_47, %dma_start3A_48] : memref<100000x32xf32, #tpu.memory_space<hbm>> -> memref<100000x32xf32, #tpu.memory_space<hbm>>
    tpu.enqueue_indirect_dma source(%dma_start3A_49 : memref<100000x32xf32, #tpu.memory_space<hbm>>) target(%dma_start3A_43 : memref<128x32xf32, #tpu.memory_space<vmem>>) offsets(%dma_start3A_46 : memref<128xi32, #tpu.memory_space<vmem>>) semaphore(%arg20 : memref<!tpu.dma_semaphore, #tpu.memory_space<semaphore_mem>>)
    %dma_start3A_50 = arith.constant 1 : i32
    %dma_start3A_51 = arith.constant 1 : i32
    %dma_start3A_52 = arith.constant 0 : i32
    %dma_start3A_53 = arith.constant 0 : i32
    %dma_start3A_54 = tpu.memref_slice %arg15[%dma_start3A_51, %dma_start3A_52, %dma_start3A_53] : memref<4x128x32xf32, #tpu.memory_space<vmem>> -> memref<1x128x32xf32, #tpu.memory_space<vmem>>
    %dma_start3A_55 = tpu.memref_squeeze %dma_start3A_54 : memref<1x128x32xf32, #tpu.memory_space<vmem>> -> memref<128x32xf32, #tpu.memory_space<vmem>>
    %dma_start3A_56 = arith.constant 0 : i32
    %dma_start3A_57 = tpu.memref_slice %arg11[%dma_start3A_50, %dma_start3A_56] : memref<4x128xi32, #tpu.memory_space<vmem>> -> memref<1x128xi32, #tpu.memory_space<vmem>>
    %dma_start3A_58 = tpu.memref_squeeze %dma_start3A_57 : memref<1x128xi32, #tpu.memory_space<vmem>> -> memref<128xi32, #tpu.memory_space<vmem>>
    %dma_start3A_59 = arith.constant 0 : i32
    %dma_start3A_60 = arith.constant 0 : i32
    %dma_start3A_61 = tpu.memref_slice %arg6[%dma_start3A_59, %dma_start3A_60] : memref<1000000x32xf32, #tpu.memory_space<hbm>> -> memref<1000000x32xf32, #tpu.memory_space<hbm>>
    tpu.enqueue_indirect_dma source(%dma_start3A_61 : memref<1000000x32xf32, #tpu.memory_space<hbm>>) target(%dma_start3A_55 : memref<128x32xf32, #tpu.memory_space<vmem>>) offsets(%dma_start3A_58 : memref<128xi32, #tpu.memory_space<vmem>>) semaphore(%arg20 : memref<!tpu.dma_semaphore, #tpu.memory_space<semaphore_mem>>)
    %dma_start3A_62 = arith.constant 1 : i32
    %dma_start3A_63 = arith.constant 1 : i32
    %dma_start3A_64 = arith.constant 0 : i32
    %dma_start3A_65 = arith.constant 0 : i32
    %dma_start3A_66 = tpu.memref_slice %arg16[%dma_start3A_63, %dma_start3A_64, %dma_start3A_65] : memref<4x128x32xf32, #tpu.memory_space<vmem>> -> memref<1x128x32xf32, #tpu.memory_space<vmem>>
    %dma_start3A_67 = tpu.memref_squeeze %dma_start3A_66 : memref<1x128x32xf32, #tpu.memory_space<vmem>> -> memref<128x32xf32, #tpu.memory_space<vmem>>
    %dma_start3A_68 = arith.constant 0 : i32
    %dma_start3A_69 = tpu.memref_slice %arg12[%dma_start3A_62, %dma_start3A_68] : memref<4x128xi32, #tpu.memory_space<vmem>> -> memref<1x128xi32, #tpu.memory_space<vmem>>
    %dma_start3A_70 = tpu.memref_squeeze %dma_start3A_69 : memref<1x128xi32, #tpu.memory_space<vmem>> -> memref<128xi32, #tpu.memory_space<vmem>>
    %dma_start3A_71 = arith.constant 0 : i32
    %dma_start3A_72 = arith.constant 0 : i32
    %dma_start3A_73 = tpu.memref_slice %arg7[%dma_start3A_71, %dma_start3A_72] : memref<1000000x32xf32, #tpu.memory_space<hbm>> -> memref<1000000x32xf32, #tpu.memory_space<hbm>>
    tpu.enqueue_indirect_dma source(%dma_start3A_73 : memref<1000000x32xf32, #tpu.memory_space<hbm>>) target(%dma_start3A_67 : memref<128x32xf32, #tpu.memory_space<vmem>>) offsets(%dma_start3A_70 : memref<128xi32, #tpu.memory_space<vmem>>) semaphore(%arg20 : memref<!tpu.dma_semaphore, #tpu.memory_space<semaphore_mem>>)
    %dma_start3A_74 = arith.constant 1 : i32
    %dma_start3A_75 = arith.constant 1 : i32
    %dma_start3A_76 = arith.constant 0 : i32
    %dma_start3A_77 = arith.constant 0 : i32
    %dma_start3A_78 = tpu.memref_slice %arg17[%dma_start3A_75, %dma_start3A_76, %dma_start3A_77] : memref<4x128x32xf32, #tpu.memory_space<vmem>> -> memref<1x128x32xf32, #tpu.memory_space<vmem>>
    %dma_start3A_79 = tpu.memref_squeeze %dma_start3A_78 : memref<1x128x32xf32, #tpu.memory_space<vmem>> -> memref<128x32xf32, #tpu.memory_space<vmem>>
    %dma_start3A_80 = arith.constant 0 : i32
    %dma_start3A_81 = tpu.memref_slice %arg13[%dma_start3A_74, %dma_start3A_80] : memref<4x128xi32, #tpu.memory_space<vmem>> -> memref<1x128xi32, #tpu.memory_space<vmem>>
    %dma_start3A_82 = tpu.memref_squeeze %dma_start3A_81 : memref<1x128xi32, #tpu.memory_space<vmem>> -> memref<128xi32, #tpu.memory_space<vmem>>
    %dma_start3A_83 = arith.constant 0 : i32
    %dma_start3A_84 = arith.constant 0 : i32
    %dma_start3A_85 = tpu.memref_slice %arg8[%dma_start3A_83, %dma_start3A_84] : memref<1000x32xf32, #tpu.memory_space<hbm>> -> memref<1000x32xf32, #tpu.memory_space<hbm>>
    tpu.enqueue_indirect_dma source(%dma_start3A_85 : memref<1000x32xf32, #tpu.memory_space<hbm>>) target(%dma_start3A_79 : memref<128x32xf32, #tpu.memory_space<vmem>>) offsets(%dma_start3A_82 : memref<128xi32, #tpu.memory_space<vmem>>) semaphore(%arg20 : memref<!tpu.dma_semaphore, #tpu.memory_space<semaphore_mem>>)
    %dma_start3A_86 = arith.constant 1 : i32
    %dma_start3A_87 = arith.constant 1 : i32
    %dma_start3A_88 = arith.constant 0 : i32
    %dma_start3A_89 = arith.constant 0 : i32
    %dma_start3A_90 = tpu.memref_slice %arg18[%dma_start3A_87, %dma_start3A_88, %dma_start3A_89] : memref<4x128x32xf32, #tpu.memory_space<vmem>> -> memref<1x128x32xf32, #tpu.memory_space<vmem>>
    %dma_start3A_91 = tpu.memref_squeeze %dma_start3A_90 : memref<1x128x32xf32, #tpu.memory_space<vmem>> -> memref<128x32xf32, #tpu.memory_space<vmem>>
    %dma_start3A_92 = arith.constant 0 : i32
    %dma_start3A_93 = tpu.memref_slice %arg14[%dma_start3A_86, %dma_start3A_92] : memref<4x128xi32, #tpu.memory_space<vmem>> -> memref<1x128xi32, #tpu.memory_space<vmem>>
    %dma_start3A_94 = tpu.memref_squeeze %dma_start3A_93 : memref<1x128xi32, #tpu.memory_space<vmem>> -> memref<128xi32, #tpu.memory_space<vmem>>
    %dma_start3A_95 = arith.constant 0 : i32
    %dma_start3A_96 = arith.constant 0 : i32
    %dma_start3A_97 = tpu.memref_slice %arg9[%dma_start3A_95, %dma_start3A_96] : memref<100000x32xf32, #tpu.memory_space<hbm>> -> memref<100000x32xf32, #tpu.memory_space<hbm>>
    tpu.enqueue_indirect_dma source(%dma_start3A_97 : memref<100000x32xf32, #tpu.memory_space<hbm>>) target(%dma_start3A_91 : memref<128x32xf32, #tpu.memory_space<vmem>>) offsets(%dma_start3A_94 : memref<128xi32, #tpu.memory_space<vmem>>) semaphore(%arg20 : memref<!tpu.dma_semaphore, #tpu.memory_space<semaphore_mem>>)
    %dma_start3A_98 = arith.constant 2 : i32
    %dma_start3A_99 = arith.constant 2 : i32
    %dma_start3A_100 = arith.constant 0 : i32
    %dma_start3A_101 = arith.constant 0 : i32
    %dma_start3A_102 = tpu.memref_slice %arg15[%dma_start3A_99, %dma_start3A_100, %dma_start3A_101] : memref<4x128x32xf32, #tpu.memory_space<vmem>> -> memref<1x128x32xf32, #tpu.memory_space<vmem>>
    %dma_start3A_103 = tpu.memref_squeeze %dma_start3A_102 : memref<1x128x32xf32, #tpu.memory_space<vmem>> -> memref<128x32xf32, #tpu.memory_space<vmem>>
    %dma_start3A_104 = arith.constant 0 : i32
    %dma_start3A_105 = tpu.memref_slice %arg11[%dma_start3A_98, %dma_start3A_104] : memref<4x128xi32, #tpu.memory_space<vmem>> -> memref<1x128xi32, #tpu.memory_space<vmem>>
    %dma_start3A_106 = tpu.memref_squeeze %dma_start3A_105 : memref<1x128xi32, #tpu.memory_space<vmem>> -> memref<128xi32, #tpu.memory_space<vmem>>
    %dma_start3A_107 = arith.constant 0 : i32
    %dma_start3A_108 = arith.constant 0 : i32
    %dma_start3A_109 = tpu.memref_slice %arg6[%dma_start3A_107, %dma_start3A_108] : memref<1000000x32xf32, #tpu.memory_space<hbm>> -> memref<1000000x32xf32, #tpu.memory_space<hbm>>
    tpu.enqueue_indirect_dma source(%dma_start3A_109 : memref<1000000x32xf32, #tpu.memory_space<hbm>>) target(%dma_start3A_103 : memref<128x32xf32, #tpu.memory_space<vmem>>) offsets(%dma_start3A_106 : memref<128xi32, #tpu.memory_space<vmem>>) semaphore(%arg20 : memref<!tpu.dma_semaphore, #tpu.memory_space<semaphore_mem>>)
    %dma_start3A_110 = arith.constant 2 : i32
    %dma_start3A_111 = arith.constant 2 : i32
    %dma_start3A_112 = arith.constant 0 : i32
    %dma_start3A_113 = arith.constant 0 : i32
    %dma_start3A_114 = tpu.memref_slice %arg16[%dma_start3A_111, %dma_start3A_112, %dma_start3A_113] : memref<4x128x32xf32, #tpu.memory_space<vmem>> -> memref<1x128x32xf32, #tpu.memory_space<vmem>>
    %dma_start3A_115 = tpu.memref_squeeze %dma_start3A_114 : memref<1x128x32xf32, #tpu.memory_space<vmem>> -> memref<128x32xf32, #tpu.memory_space<vmem>>
    %dma_start3A_116 = arith.constant 0 : i32
    %dma_start3A_117 = tpu.memref_slice %arg12[%dma_start3A_110, %dma_start3A_116] : memref<4x128xi32, #tpu.memory_space<vmem>> -> memref<1x128xi32, #tpu.memory_space<vmem>>
    %dma_start3A_118 = tpu.memref_squeeze %dma_start3A_117 : memref<1x128xi32, #tpu.memory_space<vmem>> -> memref<128xi32, #tpu.memory_space<vmem>>
    %dma_start3A_119 = arith.constant 0 : i32
    %dma_start3A_120 = arith.constant 0 : i32
    %dma_start3A_121 = tpu.memref_slice %arg7[%dma_start3A_119, %dma_start3A_120] : memref<1000000x32xf32, #tpu.memory_space<hbm>> -> memref<1000000x32xf32, #tpu.memory_space<hbm>>
    tpu.enqueue_indirect_dma source(%dma_start3A_121 : memref<1000000x32xf32, #tpu.memory_space<hbm>>) target(%dma_start3A_115 : memref<128x32xf32, #tpu.memory_space<vmem>>) offsets(%dma_start3A_118 : memref<128xi32, #tpu.memory_space<vmem>>) semaphore(%arg20 : memref<!tpu.dma_semaphore, #tpu.memory_space<semaphore_mem>>)
    %dma_start3A_122 = arith.constant 2 : i32
    %dma_start3A_123 = arith.constant 2 : i32
    %dma_start3A_124 = arith.constant 0 : i32
    %dma_start3A_125 = arith.constant 0 : i32
    %dma_start3A_126 = tpu.memref_slice %arg17[%dma_start3A_123, %dma_start3A_124, %dma_start3A_125] : memref<4x128x32xf32, #tpu.memory_space<vmem>> -> memref<1x128x32xf32, #tpu.memory_space<vmem>>
    %dma_start3A_127 = tpu.memref_squeeze %dma_start3A_126 : memref<1x128x32xf32, #tpu.memory_space<vmem>> -> memref<128x32xf32, #tpu.memory_space<vmem>>
    %dma_start3A_128 = arith.constant 0 : i32
    %dma_start3A_129 = tpu.memref_slice %arg13[%dma_start3A_122, %dma_start3A_128] : memref<4x128xi32, #tpu.memory_space<vmem>> -> memref<1x128xi32, #tpu.memory_space<vmem>>
    %dma_start3A_130 = tpu.memref_squeeze %dma_start3A_129 : memref<1x128xi32, #tpu.memory_space<vmem>> -> memref<128xi32, #tpu.memory_space<vmem>>
    %dma_start3A_131 = arith.constant 0 : i32
    %dma_start3A_132 = arith.constant 0 : i32
    %dma_start3A_133 = tpu.memref_slice %arg8[%dma_start3A_131, %dma_start3A_132] : memref<1000x32xf32, #tpu.memory_space<hbm>> -> memref<1000x32xf32, #tpu.memory_space<hbm>>
    tpu.enqueue_indirect_dma source(%dma_start3A_133 : memref<1000x32xf32, #tpu.memory_space<hbm>>) target(%dma_start3A_127 : memref<128x32xf32, #tpu.memory_space<vmem>>) offsets(%dma_start3A_130 : memref<128xi32, #tpu.memory_space<vmem>>) semaphore(%arg20 : memref<!tpu.dma_semaphore, #tpu.memory_space<semaphore_mem>>)
    %dma_start3A_134 = arith.constant 2 : i32
    %dma_start3A_135 = arith.constant 2 : i32
    %dma_start3A_136 = arith.constant 0 : i32
    %dma_start3A_137 = arith.constant 0 : i32
    %dma_start3A_138 = tpu.memref_slice %arg18[%dma_start3A_135, %dma_start3A_136, %dma_start3A_137] : memref<4x128x32xf32, #tpu.memory_space<vmem>> -> memref<1x128x32xf32, #tpu.memory_space<vmem>>
    %dma_start3A_139 = tpu.memref_squeeze %dma_start3A_138 : memref<1x128x32xf32, #tpu.memory_space<vmem>> -> memref<128x32xf32, #tpu.memory_space<vmem>>
    %dma_start3A_140 = arith.constant 0 : i32
    %dma_start3A_141 = tpu.memref_slice %arg14[%dma_start3A_134, %dma_start3A_140] : memref<4x128xi32, #tpu.memory_space<vmem>> -> memref<1x128xi32, #tpu.memory_space<vmem>>
    %dma_start3A_142 = tpu.memref_squeeze %dma_start3A_141 : memref<1x128xi32, #tpu.memory_space<vmem>> -> memref<128xi32, #tpu.memory_space<vmem>>
    %dma_start3A_143 = arith.constant 0 : i32
    %dma_start3A_144 = arith.constant 0 : i32
    %dma_start3A_145 = tpu.memref_slice %arg9[%dma_start3A_143, %dma_start3A_144] : memref<100000x32xf32, #tpu.memory_space<hbm>> -> memref<100000x32xf32, #tpu.memory_space<hbm>>
    tpu.enqueue_indirect_dma source(%dma_start3A_145 : memref<100000x32xf32, #tpu.memory_space<hbm>>) target(%dma_start3A_139 : memref<128x32xf32, #tpu.memory_space<vmem>>) offsets(%dma_start3A_142 : memref<128xi32, #tpu.memory_space<vmem>>) semaphore(%arg20 : memref<!tpu.dma_semaphore, #tpu.memory_space<semaphore_mem>>)
    %dma_start3A_146 = arith.constant 3 : i32
    %dma_start3A_147 = arith.constant 3 : i32
    %dma_start3A_148 = arith.constant 0 : i32
    %dma_start3A_149 = arith.constant 0 : i32
    %dma_start3A_150 = tpu.memref_slice %arg15[%dma_start3A_147, %dma_start3A_148, %dma_start3A_149] : memref<4x128x32xf32, #tpu.memory_space<vmem>> -> memref<1x128x32xf32, #tpu.memory_space<vmem>>
    %dma_start3A_151 = tpu.memref_squeeze %dma_start3A_150 : memref<1x128x32xf32, #tpu.memory_space<vmem>> -> memref<128x32xf32, #tpu.memory_space<vmem>>
    %dma_start3A_152 = arith.constant 0 : i32
    %dma_start3A_153 = tpu.memref_slice %arg11[%dma_start3A_146, %dma_start3A_152] : memref<4x128xi32, #tpu.memory_space<vmem>> -> memref<1x128xi32, #tpu.memory_space<vmem>>
    %dma_start3A_154 = tpu.memref_squeeze %dma_start3A_153 : memref<1x128xi32, #tpu.memory_space<vmem>> -> memref<128xi32, #tpu.memory_space<vmem>>
    %dma_start3A_155 = arith.constant 0 : i32
    %dma_start3A_156 = arith.constant 0 : i32
    %dma_start3A_157 = tpu.memref_slice %arg6[%dma_start3A_155, %dma_start3A_156] : memref<1000000x32xf32, #tpu.memory_space<hbm>> -> memref<1000000x32xf32, #tpu.memory_space<hbm>>
    tpu.enqueue_indirect_dma source(%dma_start3A_157 : memref<1000000x32xf32, #tpu.memory_space<hbm>>) target(%dma_start3A_151 : memref<128x32xf32, #tpu.memory_space<vmem>>) offsets(%dma_start3A_154 : memref<128xi32, #tpu.memory_space<vmem>>) semaphore(%arg20 : memref<!tpu.dma_semaphore, #tpu.memory_space<semaphore_mem>>)
    %dma_start3A_158 = arith.constant 3 : i32
    %dma_start3A_159 = arith.constant 3 : i32
    %dma_start3A_160 = arith.constant 0 : i32
    %dma_start3A_161 = arith.constant 0 : i32
    %dma_start3A_162 = tpu.memref_slice %arg16[%dma_start3A_159, %dma_start3A_160, %dma_start3A_161] : memref<4x128x32xf32, #tpu.memory_space<vmem>> -> memref<1x128x32xf32, #tpu.memory_space<vmem>>
    %dma_start3A_163 = tpu.memref_squeeze %dma_start3A_162 : memref<1x128x32xf32, #tpu.memory_space<vmem>> -> memref<128x32xf32, #tpu.memory_space<vmem>>
    %dma_start3A_164 = arith.constant 0 : i32
    %dma_start3A_165 = tpu.memref_slice %arg12[%dma_start3A_158, %dma_start3A_164] : memref<4x128xi32, #tpu.memory_space<vmem>> -> memref<1x128xi32, #tpu.memory_space<vmem>>
    %dma_start3A_166 = tpu.memref_squeeze %dma_start3A_165 : memref<1x128xi32, #tpu.memory_space<vmem>> -> memref<128xi32, #tpu.memory_space<vmem>>
    %dma_start3A_167 = arith.constant 0 : i32
    %dma_start3A_168 = arith.constant 0 : i32
    %dma_start3A_169 = tpu.memref_slice %arg7[%dma_start3A_167, %dma_start3A_168] : memref<1000000x32xf32, #tpu.memory_space<hbm>> -> memref<1000000x32xf32, #tpu.memory_space<hbm>>
    tpu.enqueue_indirect_dma source(%dma_start3A_169 : memref<1000000x32xf32, #tpu.memory_space<hbm>>) target(%dma_start3A_163 : memref<128x32xf32, #tpu.memory_space<vmem>>) offsets(%dma_start3A_166 : memref<128xi32, #tpu.memory_space<vmem>>) semaphore(%arg20 : memref<!tpu.dma_semaphore, #tpu.memory_space<semaphore_mem>>)
    %dma_start3A_170 = arith.constant 3 : i32
    %dma_start3A_171 = arith.constant 3 : i32
    %dma_start3A_172 = arith.constant 0 : i32
    %dma_start3A_173 = arith.constant 0 : i32
    %dma_start3A_174 = tpu.memref_slice %arg17[%dma_start3A_171, %dma_start3A_172, %dma_start3A_173] : memref<4x128x32xf32, #tpu.memory_space<vmem>> -> memref<1x128x32xf32, #tpu.memory_space<vmem>>
    %dma_start3A_175 = tpu.memref_squeeze %dma_start3A_174 : memref<1x128x32xf32, #tpu.memory_space<vmem>> -> memref<128x32xf32, #tpu.memory_space<vmem>>
    %dma_start3A_176 = arith.constant 0 : i32
    %dma_start3A_177 = tpu.memref_slice %arg13[%dma_start3A_170, %dma_start3A_176] : memref<4x128xi32, #tpu.memory_space<vmem>> -> memref<1x128xi32, #tpu.memory_space<vmem>>
    %dma_start3A_178 = tpu.memref_squeeze %dma_start3A_177 : memref<1x128xi32, #tpu.memory_space<vmem>> -> memref<128xi32, #tpu.memory_space<vmem>>
    %dma_start3A_179 = arith.constant 0 : i32
    %dma_start3A_180 = arith.constant 0 : i32
    %dma_start3A_181 = tpu.memref_slice %arg8[%dma_start3A_179, %dma_start3A_180] : memref<1000x32xf32, #tpu.memory_space<hbm>> -> memref<1000x32xf32, #tpu.memory_space<hbm>>
    tpu.enqueue_indirect_dma source(%dma_start3A_181 : memref<1000x32xf32, #tpu.memory_space<hbm>>) target(%dma_start3A_175 : memref<128x32xf32, #tpu.memory_space<vmem>>) offsets(%dma_start3A_178 : memref<128xi32, #tpu.memory_space<vmem>>) semaphore(%arg20 : memref<!tpu.dma_semaphore, #tpu.memory_space<semaphore_mem>>)
    %dma_start3A_182 = arith.constant 3 : i32
    %dma_start3A_183 = arith.constant 3 : i32
    %dma_start3A_184 = arith.constant 0 : i32
    %dma_start3A_185 = arith.constant 0 : i32
    %dma_start3A_186 = tpu.memref_slice %arg18[%dma_start3A_183, %dma_start3A_184, %dma_start3A_185] : memref<4x128x32xf32, #tpu.memory_space<vmem>> -> memref<1x128x32xf32, #tpu.memory_space<vmem>>
    %dma_start3A_187 = tpu.memref_squeeze %dma_start3A_186 : memref<1x128x32xf32, #tpu.memory_space<vmem>> -> memref<128x32xf32, #tpu.memory_space<vmem>>
    %dma_start3A_188 = arith.constant 0 : i32
    %dma_start3A_189 = tpu.memref_slice %arg14[%dma_start3A_182, %dma_start3A_188] : memref<4x128xi32, #tpu.memory_space<vmem>> -> memref<1x128xi32, #tpu.memory_space<vmem>>
    %dma_start3A_190 = tpu.memref_squeeze %dma_start3A_189 : memref<1x128xi32, #tpu.memory_space<vmem>> -> memref<128xi32, #tpu.memory_space<vmem>>
    %dma_start3A_191 = arith.constant 0 : i32
    %dma_start3A_192 = arith.constant 0 : i32
    %dma_start3A_193 = tpu.memref_slice %arg9[%dma_start3A_191, %dma_start3A_192] : memref<100000x32xf32, #tpu.memory_space<hbm>> -> memref<100000x32xf32, #tpu.memory_space<hbm>>
    tpu.enqueue_indirect_dma source(%dma_start3A_193 : memref<100000x32xf32, #tpu.memory_space<hbm>>) target(%dma_start3A_187 : memref<128x32xf32, #tpu.memory_space<vmem>>) offsets(%dma_start3A_190 : memref<128xi32, #tpu.memory_space<vmem>>) semaphore(%arg20 : memref<!tpu.dma_semaphore, #tpu.memory_space<semaphore_mem>>)
    %dma_wait3A = arith.constant 0 : i32
    %dma_wait3A_194 = arith.constant 0 : i32
    %dma_wait3A_195 = arith.constant 0 : i32
    %dma_wait3A_196 = arith.constant 0 : i32
    %dma_wait3A_197 = tpu.memref_slice %arg15[%dma_wait3A_194, %dma_wait3A_195, %dma_wait3A_196] : memref<4x128x32xf32, #tpu.memory_space<vmem>> -> memref<1x128x32xf32, #tpu.memory_space<vmem>>
    %dma_wait3A_198 = tpu.memref_squeeze %dma_wait3A_197 : memref<1x128x32xf32, #tpu.memory_space<vmem>> -> memref<128x32xf32, #tpu.memory_space<vmem>>
    %dma_wait3A_199 = arith.constant 0 : i32
    %dma_wait3A_200 = tpu.memref_slice %arg11[%dma_wait3A, %dma_wait3A_199] : memref<4x128xi32, #tpu.memory_space<vmem>> -> memref<1x128xi32, #tpu.memory_space<vmem>>
    %dma_wait3A_201 = tpu.memref_squeeze %dma_wait3A_200 : memref<1x128xi32, #tpu.memory_space<vmem>> -> memref<128xi32, #tpu.memory_space<vmem>>
    %dma_wait3A_202 = arith.constant 0 : i32
    %dma_wait3A_203 = arith.constant 0 : i32
    %dma_wait3A_204 = tpu.memref_slice %arg6[%dma_wait3A_202, %dma_wait3A_203] : memref<1000000x32xf32, #tpu.memory_space<hbm>> -> memref<1000000x32xf32, #tpu.memory_space<hbm>>
    tpu.wait_indirect_dma semaphore(%arg20 : memref<!tpu.dma_semaphore, #tpu.memory_space<semaphore_mem>>) src(%dma_wait3A_204 : memref<1000000x32xf32, #tpu.memory_space<hbm>>) dst(%dma_wait3A_198 : memref<128x32xf32, #tpu.memory_space<vmem>>)
    %dma_wait3A_205 = arith.constant 0 : i32
    %dma_wait3A_206 = arith.constant 0 : i32
    %dma_wait3A_207 = arith.constant 0 : i32
    %dma_wait3A_208 = arith.constant 0 : i32
    %dma_wait3A_209 = tpu.memref_slice %arg16[%dma_wait3A_206, %dma_wait3A_207, %dma_wait3A_208] : memref<4x128x32xf32, #tpu.memory_space<vmem>> -> memref<1x128x32xf32, #tpu.memory_space<vmem>>
    %dma_wait3A_210 = tpu.memref_squeeze %dma_wait3A_209 : memref<1x128x32xf32, #tpu.memory_space<vmem>> -> memref<128x32xf32, #tpu.memory_space<vmem>>
    %dma_wait3A_211 = arith.constant 0 : i32
    %dma_wait3A_212 = tpu.memref_slice %arg12[%dma_wait3A_205, %dma_wait3A_211] : memref<4x128xi32, #tpu.memory_space<vmem>> -> memref<1x128xi32, #tpu.memory_space<vmem>>
    %dma_wait3A_213 = tpu.memref_squeeze %dma_wait3A_212 : memref<1x128xi32, #tpu.memory_space<vmem>> -> memref<128xi32, #tpu.memory_space<vmem>>
    %dma_wait3A_214 = arith.constant 0 : i32
    %dma_wait3A_215 = arith.constant 0 : i32
    %dma_wait3A_216 = tpu.memref_slice %arg7[%dma_wait3A_214, %dma_wait3A_215] : memref<1000000x32xf32, #tpu.memory_space<hbm>> -> memref<1000000x32xf32, #tpu.memory_space<hbm>>
    tpu.wait_indirect_dma semaphore(%arg20 : memref<!tpu.dma_semaphore, #tpu.memory_space<semaphore_mem>>) src(%dma_wait3A_216 : memref<1000000x32xf32, #tpu.memory_space<hbm>>) dst(%dma_wait3A_210 : memref<128x32xf32, #tpu.memory_space<vmem>>)
    %dma_wait3A_217 = arith.constant 0 : i32
    %dma_wait3A_218 = arith.constant 0 : i32
    %dma_wait3A_219 = arith.constant 0 : i32
    %dma_wait3A_220 = arith.constant 0 : i32
    %dma_wait3A_221 = tpu.memref_slice %arg17[%dma_wait3A_218, %dma_wait3A_219, %dma_wait3A_220] : memref<4x128x32xf32, #tpu.memory_space<vmem>> -> memref<1x128x32xf32, #tpu.memory_space<vmem>>
    %dma_wait3A_222 = tpu.memref_squeeze %dma_wait3A_221 : memref<1x128x32xf32, #tpu.memory_space<vmem>> -> memref<128x32xf32, #tpu.memory_space<vmem>>
    %dma_wait3A_223 = arith.constant 0 : i32
    %dma_wait3A_224 = tpu.memref_slice %arg13[%dma_wait3A_217, %dma_wait3A_223] : memref<4x128xi32, #tpu.memory_space<vmem>> -> memref<1x128xi32, #tpu.memory_space<vmem>>
    %dma_wait3A_225 = tpu.memref_squeeze %dma_wait3A_224 : memref<1x128xi32, #tpu.memory_space<vmem>> -> memref<128xi32, #tpu.memory_space<vmem>>
    %dma_wait3A_226 = arith.constant 0 : i32
    %dma_wait3A_227 = arith.constant 0 : i32
    %dma_wait3A_228 = tpu.memref_slice %arg8[%dma_wait3A_226, %dma_wait3A_227] : memref<1000x32xf32, #tpu.memory_space<hbm>> -> memref<1000x32xf32, #tpu.memory_space<hbm>>
    tpu.wait_indirect_dma semaphore(%arg20 : memref<!tpu.dma_semaphore, #tpu.memory_space<semaphore_mem>>) src(%dma_wait3A_228 : memref<1000x32xf32, #tpu.memory_space<hbm>>) dst(%dma_wait3A_222 : memref<128x32xf32, #tpu.memory_space<vmem>>)
    %dma_wait3A_229 = arith.constant 0 : i32
    %dma_wait3A_230 = arith.constant 0 : i32
    %dma_wait3A_231 = arith.constant 0 : i32
    %dma_wait3A_232 = arith.constant 0 : i32
    %dma_wait3A_233 = tpu.memref_slice %arg18[%dma_wait3A_230, %dma_wait3A_231, %dma_wait3A_232] : memref<4x128x32xf32, #tpu.memory_space<vmem>> -> memref<1x128x32xf32, #tpu.memory_space<vmem>>
    %dma_wait3A_234 = tpu.memref_squeeze %dma_wait3A_233 : memref<1x128x32xf32, #tpu.memory_space<vmem>> -> memref<128x32xf32, #tpu.memory_space<vmem>>
    %dma_wait3A_235 = arith.constant 0 : i32
    %dma_wait3A_236 = tpu.memref_slice %arg14[%dma_wait3A_229, %dma_wait3A_235] : memref<4x128xi32, #tpu.memory_space<vmem>> -> memref<1x128xi32, #tpu.memory_space<vmem>>
    %dma_wait3A_237 = tpu.memref_squeeze %dma_wait3A_236 : memref<1x128xi32, #tpu.memory_space<vmem>> -> memref<128xi32, #tpu.memory_space<vmem>>
    %dma_wait3A_238 = arith.constant 0 : i32
    %dma_wait3A_239 = arith.constant 0 : i32
    %dma_wait3A_240 = tpu.memref_slice %arg9[%dma_wait3A_238, %dma_wait3A_239] : memref<100000x32xf32, #tpu.memory_space<hbm>> -> memref<100000x32xf32, #tpu.memory_space<hbm>>
    tpu.wait_indirect_dma semaphore(%arg20 : memref<!tpu.dma_semaphore, #tpu.memory_space<semaphore_mem>>) src(%dma_wait3A_240 : memref<100000x32xf32, #tpu.memory_space<hbm>>) dst(%dma_wait3A_234 : memref<128x32xf32, #tpu.memory_space<vmem>>)
    %dma_wait3A_241 = arith.constant 1 : i32
    %dma_wait3A_242 = arith.constant 1 : i32
    %dma_wait3A_243 = arith.constant 0 : i32
    %dma_wait3A_244 = arith.constant 0 : i32
    %dma_wait3A_245 = tpu.memref_slice %arg15[%dma_wait3A_242, %dma_wait3A_243, %dma_wait3A_244] : memref<4x128x32xf32, #tpu.memory_space<vmem>> -> memref<1x128x32xf32, #tpu.memory_space<vmem>>
    %dma_wait3A_246 = tpu.memref_squeeze %dma_wait3A_245 : memref<1x128x32xf32, #tpu.memory_space<vmem>> -> memref<128x32xf32, #tpu.memory_space<vmem>>
    %dma_wait3A_247 = arith.constant 0 : i32
    %dma_wait3A_248 = tpu.memref_slice %arg11[%dma_wait3A_241, %dma_wait3A_247] : memref<4x128xi32, #tpu.memory_space<vmem>> -> memref<1x128xi32, #tpu.memory_space<vmem>>
    %dma_wait3A_249 = tpu.memref_squeeze %dma_wait3A_248 : memref<1x128xi32, #tpu.memory_space<vmem>> -> memref<128xi32, #tpu.memory_space<vmem>>
    %dma_wait3A_250 = arith.constant 0 : i32
    %dma_wait3A_251 = arith.constant 0 : i32
    %dma_wait3A_252 = tpu.memref_slice %arg6[%dma_wait3A_250, %dma_wait3A_251] : memref<1000000x32xf32, #tpu.memory_space<hbm>> -> memref<1000000x32xf32, #tpu.memory_space<hbm>>
    tpu.wait_indirect_dma semaphore(%arg20 : memref<!tpu.dma_semaphore, #tpu.memory_space<semaphore_mem>>) src(%dma_wait3A_252 : memref<1000000x32xf32, #tpu.memory_space<hbm>>) dst(%dma_wait3A_246 : memref<128x32xf32, #tpu.memory_space<vmem>>)
    %dma_wait3A_253 = arith.constant 1 : i32
    %dma_wait3A_254 = arith.constant 1 : i32
    %dma_wait3A_255 = arith.constant 0 : i32
    %dma_wait3A_256 = arith.constant 0 : i32
    %dma_wait3A_257 = tpu.memref_slice %arg16[%dma_wait3A_254, %dma_wait3A_255, %dma_wait3A_256] : memref<4x128x32xf32, #tpu.memory_space<vmem>> -> memref<1x128x32xf32, #tpu.memory_space<vmem>>
    %dma_wait3A_258 = tpu.memref_squeeze %dma_wait3A_257 : memref<1x128x32xf32, #tpu.memory_space<vmem>> -> memref<128x32xf32, #tpu.memory_space<vmem>>
    %dma_wait3A_259 = arith.constant 0 : i32
    %dma_wait3A_260 = tpu.memref_slice %arg12[%dma_wait3A_253, %dma_wait3A_259] : memref<4x128xi32, #tpu.memory_space<vmem>> -> memref<1x128xi32, #tpu.memory_space<vmem>>
    %dma_wait3A_261 = tpu.memref_squeeze %dma_wait3A_260 : memref<1x128xi32, #tpu.memory_space<vmem>> -> memref<128xi32, #tpu.memory_space<vmem>>
    %dma_wait3A_262 = arith.constant 0 : i32
    %dma_wait3A_263 = arith.constant 0 : i32
    %dma_wait3A_264 = tpu.memref_slice %arg7[%dma_wait3A_262, %dma_wait3A_263] : memref<1000000x32xf32, #tpu.memory_space<hbm>> -> memref<1000000x32xf32, #tpu.memory_space<hbm>>
    tpu.wait_indirect_dma semaphore(%arg20 : memref<!tpu.dma_semaphore, #tpu.memory_space<semaphore_mem>>) src(%dma_wait3A_264 : memref<1000000x32xf32, #tpu.memory_space<hbm>>) dst(%dma_wait3A_258 : memref<128x32xf32, #tpu.memory_space<vmem>>)
    %dma_wait3A_265 = arith.constant 1 : i32
    %dma_wait3A_266 = arith.constant 1 : i32
    %dma_wait3A_267 = arith.constant 0 : i32
    %dma_wait3A_268 = arith.constant 0 : i32
    %dma_wait3A_269 = tpu.memref_slice %arg17[%dma_wait3A_266, %dma_wait3A_267, %dma_wait3A_268] : memref<4x128x32xf32, #tpu.memory_space<vmem>> -> memref<1x128x32xf32, #tpu.memory_space<vmem>>
    %dma_wait3A_270 = tpu.memref_squeeze %dma_wait3A_269 : memref<1x128x32xf32, #tpu.memory_space<vmem>> -> memref<128x32xf32, #tpu.memory_space<vmem>>
    %dma_wait3A_271 = arith.constant 0 : i32
    %dma_wait3A_272 = tpu.memref_slice %arg13[%dma_wait3A_265, %dma_wait3A_271] : memref<4x128xi32, #tpu.memory_space<vmem>> -> memref<1x128xi32, #tpu.memory_space<vmem>>
    %dma_wait3A_273 = tpu.memref_squeeze %dma_wait3A_272 : memref<1x128xi32, #tpu.memory_space<vmem>> -> memref<128xi32, #tpu.memory_space<vmem>>
    %dma_wait3A_274 = arith.constant 0 : i32
    %dma_wait3A_275 = arith.constant 0 : i32
    %dma_wait3A_276 = tpu.memref_slice %arg8[%dma_wait3A_274, %dma_wait3A_275] : memref<1000x32xf32, #tpu.memory_space<hbm>> -> memref<1000x32xf32, #tpu.memory_space<hbm>>
    tpu.wait_indirect_dma semaphore(%arg20 : memref<!tpu.dma_semaphore, #tpu.memory_space<semaphore_mem>>) src(%dma_wait3A_276 : memref<1000x32xf32, #tpu.memory_space<hbm>>) dst(%dma_wait3A_270 : memref<128x32xf32, #tpu.memory_space<vmem>>)
    %dma_wait3A_277 = arith.constant 1 : i32
    %dma_wait3A_278 = arith.constant 1 : i32
    %dma_wait3A_279 = arith.constant 0 : i32
    %dma_wait3A_280 = arith.constant 0 : i32
    %dma_wait3A_281 = tpu.memref_slice %arg18[%dma_wait3A_278, %dma_wait3A_279, %dma_wait3A_280] : memref<4x128x32xf32, #tpu.memory_space<vmem>> -> memref<1x128x32xf32, #tpu.memory_space<vmem>>
    %dma_wait3A_282 = tpu.memref_squeeze %dma_wait3A_281 : memref<1x128x32xf32, #tpu.memory_space<vmem>> -> memref<128x32xf32, #tpu.memory_space<vmem>>
    %dma_wait3A_283 = arith.constant 0 : i32
    %dma_wait3A_284 = tpu.memref_slice %arg14[%dma_wait3A_277, %dma_wait3A_283] : memref<4x128xi32, #tpu.memory_space<vmem>> -> memref<1x128xi32, #tpu.memory_space<vmem>>
    %dma_wait3A_285 = tpu.memref_squeeze %dma_wait3A_284 : memref<1x128xi32, #tpu.memory_space<vmem>> -> memref<128xi32, #tpu.memory_space<vmem>>
    %dma_wait3A_286 = arith.constant 0 : i32
    %dma_wait3A_287 = arith.constant 0 : i32
    %dma_wait3A_288 = tpu.memref_slice %arg9[%dma_wait3A_286, %dma_wait3A_287] : memref<100000x32xf32, #tpu.memory_space<hbm>> -> memref<100000x32xf32, #tpu.memory_space<hbm>>
    tpu.wait_indirect_dma semaphore(%arg20 : memref<!tpu.dma_semaphore, #tpu.memory_space<semaphore_mem>>) src(%dma_wait3A_288 : memref<100000x32xf32, #tpu.memory_space<hbm>>) dst(%dma_wait3A_282 : memref<128x32xf32, #tpu.memory_space<vmem>>)
    %dma_wait3A_289 = arith.constant 2 : i32
    %dma_wait3A_290 = arith.constant 2 : i32
    %dma_wait3A_291 = arith.constant 0 : i32
    %dma_wait3A_292 = arith.constant 0 : i32
    %dma_wait3A_293 = tpu.memref_slice %arg15[%dma_wait3A_290, %dma_wait3A_291, %dma_wait3A_292] : memref<4x128x32xf32, #tpu.memory_space<vmem>> -> memref<1x128x32xf32, #tpu.memory_space<vmem>>
    %dma_wait3A_294 = tpu.memref_squeeze %dma_wait3A_293 : memref<1x128x32xf32, #tpu.memory_space<vmem>> -> memref<128x32xf32, #tpu.memory_space<vmem>>
    %dma_wait3A_295 = arith.constant 0 : i32
    %dma_wait3A_296 = tpu.memref_slice %arg11[%dma_wait3A_289, %dma_wait3A_295] : memref<4x128xi32, #tpu.memory_space<vmem>> -> memref<1x128xi32, #tpu.memory_space<vmem>>
    %dma_wait3A_297 = tpu.memref_squeeze %dma_wait3A_296 : memref<1x128xi32, #tpu.memory_space<vmem>> -> memref<128xi32, #tpu.memory_space<vmem>>
    %dma_wait3A_298 = arith.constant 0 : i32
    %dma_wait3A_299 = arith.constant 0 : i32
    %dma_wait3A_300 = tpu.memref_slice %arg6[%dma_wait3A_298, %dma_wait3A_299] : memref<1000000x32xf32, #tpu.memory_space<hbm>> -> memref<1000000x32xf32, #tpu.memory_space<hbm>>
    tpu.wait_indirect_dma semaphore(%arg20 : memref<!tpu.dma_semaphore, #tpu.memory_space<semaphore_mem>>) src(%dma_wait3A_300 : memref<1000000x32xf32, #tpu.memory_space<hbm>>) dst(%dma_wait3A_294 : memref<128x32xf32, #tpu.memory_space<vmem>>)
    %dma_wait3A_301 = arith.constant 2 : i32
    %dma_wait3A_302 = arith.constant 2 : i32
    %dma_wait3A_303 = arith.constant 0 : i32
    %dma_wait3A_304 = arith.constant 0 : i32
    %dma_wait3A_305 = tpu.memref_slice %arg16[%dma_wait3A_302, %dma_wait3A_303, %dma_wait3A_304] : memref<4x128x32xf32, #tpu.memory_space<vmem>> -> memref<1x128x32xf32, #tpu.memory_space<vmem>>
    %dma_wait3A_306 = tpu.memref_squeeze %dma_wait3A_305 : memref<1x128x32xf32, #tpu.memory_space<vmem>> -> memref<128x32xf32, #tpu.memory_space<vmem>>
    %dma_wait3A_307 = arith.constant 0 : i32
    %dma_wait3A_308 = tpu.memref_slice %arg12[%dma_wait3A_301, %dma_wait3A_307] : memref<4x128xi32, #tpu.memory_space<vmem>> -> memref<1x128xi32, #tpu.memory_space<vmem>>
    %dma_wait3A_309 = tpu.memref_squeeze %dma_wait3A_308 : memref<1x128xi32, #tpu.memory_space<vmem>> -> memref<128xi32, #tpu.memory_space<vmem>>
    %dma_wait3A_310 = arith.constant 0 : i32
    %dma_wait3A_311 = arith.constant 0 : i32
    %dma_wait3A_312 = tpu.memref_slice %arg7[%dma_wait3A_310, %dma_wait3A_311] : memref<1000000x32xf32, #tpu.memory_space<hbm>> -> memref<1000000x32xf32, #tpu.memory_space<hbm>>
    tpu.wait_indirect_dma semaphore(%arg20 : memref<!tpu.dma_semaphore, #tpu.memory_space<semaphore_mem>>) src(%dma_wait3A_312 : memref<1000000x32xf32, #tpu.memory_space<hbm>>) dst(%dma_wait3A_306 : memref<128x32xf32, #tpu.memory_space<vmem>>)
    %dma_wait3A_313 = arith.constant 2 : i32
    %dma_wait3A_314 = arith.constant 2 : i32
    %dma_wait3A_315 = arith.constant 0 : i32
    %dma_wait3A_316 = arith.constant 0 : i32
    %dma_wait3A_317 = tpu.memref_slice %arg17[%dma_wait3A_314, %dma_wait3A_315, %dma_wait3A_316] : memref<4x128x32xf32, #tpu.memory_space<vmem>> -> memref<1x128x32xf32, #tpu.memory_space<vmem>>
    %dma_wait3A_318 = tpu.memref_squeeze %dma_wait3A_317 : memref<1x128x32xf32, #tpu.memory_space<vmem>> -> memref<128x32xf32, #tpu.memory_space<vmem>>
    %dma_wait3A_319 = arith.constant 0 : i32
    %dma_wait3A_320 = tpu.memref_slice %arg13[%dma_wait3A_313, %dma_wait3A_319] : memref<4x128xi32, #tpu.memory_space<vmem>> -> memref<1x128xi32, #tpu.memory_space<vmem>>
    %dma_wait3A_321 = tpu.memref_squeeze %dma_wait3A_320 : memref<1x128xi32, #tpu.memory_space<vmem>> -> memref<128xi32, #tpu.memory_space<vmem>>
    %dma_wait3A_322 = arith.constant 0 : i32
    %dma_wait3A_323 = arith.constant 0 : i32
    %dma_wait3A_324 = tpu.memref_slice %arg8[%dma_wait3A_322, %dma_wait3A_323] : memref<1000x32xf32, #tpu.memory_space<hbm>> -> memref<1000x32xf32, #tpu.memory_space<hbm>>
    tpu.wait_indirect_dma semaphore(%arg20 : memref<!tpu.dma_semaphore, #tpu.memory_space<semaphore_mem>>) src(%dma_wait3A_324 : memref<1000x32xf32, #tpu.memory_space<hbm>>) dst(%dma_wait3A_318 : memref<128x32xf32, #tpu.memory_space<vmem>>)
    %dma_wait3A_325 = arith.constant 2 : i32
    %dma_wait3A_326 = arith.constant 2 : i32
    %dma_wait3A_327 = arith.constant 0 : i32
    %dma_wait3A_328 = arith.constant 0 : i32
    %dma_wait3A_329 = tpu.memref_slice %arg18[%dma_wait3A_326, %dma_wait3A_327, %dma_wait3A_328] : memref<4x128x32xf32, #tpu.memory_space<vmem>> -> memref<1x128x32xf32, #tpu.memory_space<vmem>>
    %dma_wait3A_330 = tpu.memref_squeeze %dma_wait3A_329 : memref<1x128x32xf32, #tpu.memory_space<vmem>> -> memref<128x32xf32, #tpu.memory_space<vmem>>
    %dma_wait3A_331 = arith.constant 0 : i32
    %dma_wait3A_332 = tpu.memref_slice %arg14[%dma_wait3A_325, %dma_wait3A_331] : memref<4x128xi32, #tpu.memory_space<vmem>> -> memref<1x128xi32, #tpu.memory_space<vmem>>
    %dma_wait3A_333 = tpu.memref_squeeze %dma_wait3A_332 : memref<1x128xi32, #tpu.memory_space<vmem>> -> memref<128xi32, #tpu.memory_space<vmem>>
    %dma_wait3A_334 = arith.constant 0 : i32
    %dma_wait3A_335 = arith.constant 0 : i32
    %dma_wait3A_336 = tpu.memref_slice %arg9[%dma_wait3A_334, %dma_wait3A_335] : memref<100000x32xf32, #tpu.memory_space<hbm>> -> memref<100000x32xf32, #tpu.memory_space<hbm>>
    tpu.wait_indirect_dma semaphore(%arg20 : memref<!tpu.dma_semaphore, #tpu.memory_space<semaphore_mem>>) src(%dma_wait3A_336 : memref<100000x32xf32, #tpu.memory_space<hbm>>) dst(%dma_wait3A_330 : memref<128x32xf32, #tpu.memory_space<vmem>>)
    %dma_wait3A_337 = arith.constant 3 : i32
    %dma_wait3A_338 = arith.constant 3 : i32
    %dma_wait3A_339 = arith.constant 0 : i32
    %dma_wait3A_340 = arith.constant 0 : i32
    %dma_wait3A_341 = tpu.memref_slice %arg15[%dma_wait3A_338, %dma_wait3A_339, %dma_wait3A_340] : memref<4x128x32xf32, #tpu.memory_space<vmem>> -> memref<1x128x32xf32, #tpu.memory_space<vmem>>
    %dma_wait3A_342 = tpu.memref_squeeze %dma_wait3A_341 : memref<1x128x32xf32, #tpu.memory_space<vmem>> -> memref<128x32xf32, #tpu.memory_space<vmem>>
    %dma_wait3A_343 = arith.constant 0 : i32
    %dma_wait3A_344 = tpu.memref_slice %arg11[%dma_wait3A_337, %dma_wait3A_343] : memref<4x128xi32, #tpu.memory_space<vmem>> -> memref<1x128xi32, #tpu.memory_space<vmem>>
    %dma_wait3A_345 = tpu.memref_squeeze %dma_wait3A_344 : memref<1x128xi32, #tpu.memory_space<vmem>> -> memref<128xi32, #tpu.memory_space<vmem>>
    %dma_wait3A_346 = arith.constant 0 : i32
    %dma_wait3A_347 = arith.constant 0 : i32
    %dma_wait3A_348 = tpu.memref_slice %arg6[%dma_wait3A_346, %dma_wait3A_347] : memref<1000000x32xf32, #tpu.memory_space<hbm>> -> memref<1000000x32xf32, #tpu.memory_space<hbm>>
    tpu.wait_indirect_dma semaphore(%arg20 : memref<!tpu.dma_semaphore, #tpu.memory_space<semaphore_mem>>) src(%dma_wait3A_348 : memref<1000000x32xf32, #tpu.memory_space<hbm>>) dst(%dma_wait3A_342 : memref<128x32xf32, #tpu.memory_space<vmem>>)
    %dma_wait3A_349 = arith.constant 3 : i32
    %dma_wait3A_350 = arith.constant 3 : i32
    %dma_wait3A_351 = arith.constant 0 : i32
    %dma_wait3A_352 = arith.constant 0 : i32
    %dma_wait3A_353 = tpu.memref_slice %arg16[%dma_wait3A_350, %dma_wait3A_351, %dma_wait3A_352] : memref<4x128x32xf32, #tpu.memory_space<vmem>> -> memref<1x128x32xf32, #tpu.memory_space<vmem>>
    %dma_wait3A_354 = tpu.memref_squeeze %dma_wait3A_353 : memref<1x128x32xf32, #tpu.memory_space<vmem>> -> memref<128x32xf32, #tpu.memory_space<vmem>>
    %dma_wait3A_355 = arith.constant 0 : i32
    %dma_wait3A_356 = tpu.memref_slice %arg12[%dma_wait3A_349, %dma_wait3A_355] : memref<4x128xi32, #tpu.memory_space<vmem>> -> memref<1x128xi32, #tpu.memory_space<vmem>>
    %dma_wait3A_357 = tpu.memref_squeeze %dma_wait3A_356 : memref<1x128xi32, #tpu.memory_space<vmem>> -> memref<128xi32, #tpu.memory_space<vmem>>
    %dma_wait3A_358 = arith.constant 0 : i32
    %dma_wait3A_359 = arith.constant 0 : i32
    %dma_wait3A_360 = tpu.memref_slice %arg7[%dma_wait3A_358, %dma_wait3A_359] : memref<1000000x32xf32, #tpu.memory_space<hbm>> -> memref<1000000x32xf32, #tpu.memory_space<hbm>>
    tpu.wait_indirect_dma semaphore(%arg20 : memref<!tpu.dma_semaphore, #tpu.memory_space<semaphore_mem>>) src(%dma_wait3A_360 : memref<1000000x32xf32, #tpu.memory_space<hbm>>) dst(%dma_wait3A_354 : memref<128x32xf32, #tpu.memory_space<vmem>>)
    %dma_wait3A_361 = arith.constant 3 : i32
    %dma_wait3A_362 = arith.constant 3 : i32
    %dma_wait3A_363 = arith.constant 0 : i32
    %dma_wait3A_364 = arith.constant 0 : i32
    %dma_wait3A_365 = tpu.memref_slice %arg17[%dma_wait3A_362, %dma_wait3A_363, %dma_wait3A_364] : memref<4x128x32xf32, #tpu.memory_space<vmem>> -> memref<1x128x32xf32, #tpu.memory_space<vmem>>
    %dma_wait3A_366 = tpu.memref_squeeze %dma_wait3A_365 : memref<1x128x32xf32, #tpu.memory_space<vmem>> -> memref<128x32xf32, #tpu.memory_space<vmem>>
    %dma_wait3A_367 = arith.constant 0 : i32
    %dma_wait3A_368 = tpu.memref_slice %arg13[%dma_wait3A_361, %dma_wait3A_367] : memref<4x128xi32, #tpu.memory_space<vmem>> -> memref<1x128xi32, #tpu.memory_space<vmem>>
    %dma_wait3A_369 = tpu.memref_squeeze %dma_wait3A_368 : memref<1x128xi32, #tpu.memory_space<vmem>> -> memref<128xi32, #tpu.memory_space<vmem>>
    %dma_wait3A_370 = arith.constant 0 : i32
    %dma_wait3A_371 = arith.constant 0 : i32
    %dma_wait3A_372 = tpu.memref_slice %arg8[%dma_wait3A_370, %dma_wait3A_371] : memref<1000x32xf32, #tpu.memory_space<hbm>> -> memref<1000x32xf32, #tpu.memory_space<hbm>>
    tpu.wait_indirect_dma semaphore(%arg20 : memref<!tpu.dma_semaphore, #tpu.memory_space<semaphore_mem>>) src(%dma_wait3A_372 : memref<1000x32xf32, #tpu.memory_space<hbm>>) dst(%dma_wait3A_366 : memref<128x32xf32, #tpu.memory_space<vmem>>)
    %dma_wait3A_373 = arith.constant 3 : i32
    %dma_wait3A_374 = arith.constant 3 : i32
    %dma_wait3A_375 = arith.constant 0 : i32
    %dma_wait3A_376 = arith.constant 0 : i32
    %dma_wait3A_377 = tpu.memref_slice %arg18[%dma_wait3A_374, %dma_wait3A_375, %dma_wait3A_376] : memref<4x128x32xf32, #tpu.memory_space<vmem>> -> memref<1x128x32xf32, #tpu.memory_space<vmem>>
    %dma_wait3A_378 = tpu.memref_squeeze %dma_wait3A_377 : memref<1x128x32xf32, #tpu.memory_space<vmem>> -> memref<128x32xf32, #tpu.memory_space<vmem>>
    %dma_wait3A_379 = arith.constant 0 : i32
    %dma_wait3A_380 = tpu.memref_slice %arg14[%dma_wait3A_373, %dma_wait3A_379] : memref<4x128xi32, #tpu.memory_space<vmem>> -> memref<1x128xi32, #tpu.memory_space<vmem>>
    %dma_wait3A_381 = tpu.memref_squeeze %dma_wait3A_380 : memref<1x128xi32, #tpu.memory_space<vmem>> -> memref<128xi32, #tpu.memory_space<vmem>>
    %dma_wait3A_382 = arith.constant 0 : i32
    %dma_wait3A_383 = arith.constant 0 : i32
    %dma_wait3A_384 = tpu.memref_slice %arg9[%dma_wait3A_382, %dma_wait3A_383] : memref<100000x32xf32, #tpu.memory_space<hbm>> -> memref<100000x32xf32, #tpu.memory_space<hbm>>
    tpu.wait_indirect_dma semaphore(%arg20 : memref<!tpu.dma_semaphore, #tpu.memory_space<semaphore_mem>>) src(%dma_wait3A_384 : memref<100000x32xf32, #tpu.memory_space<hbm>>) dst(%dma_wait3A_378 : memref<128x32xf32, #tpu.memory_space<vmem>>)
    %scan3A = arith.constant 0 : i32
    %scan3A_385 = arith.constant 0 : i32
    %scan3A_386 = arith.constant 128 : i32
    %scan3A_387 = arith.addi %scan3A_385, %scan3A_386 : i32
    %scan3A_388 = arith.constant 1 : i32
    scf.for %scan3A_408 = %scan3A_385 to %scan3A_387 step %scan3A_388  : i32 {
      %get3A = arith.constant 0 : i32
      %get3A_409 = arith.index_cast %get3A : i32 to index
      %get3A_410 = arith.index_cast %scan3A_408 : i32 to index
      %get3A_411 = arith.constant 0 : index
      %get3A_412 = tpu.vector_load %arg15[%get3A_409, %get3A_410, %get3A_411] {strides = array<i32>} : memref<4x128x32xf32, #tpu.memory_space<vmem>>, vector<1x1x16xf32>,
      %get3A_413 = vector.shape_cast %get3A_412 : vector<1x1x16xf32> to vector<16xf32>
      %get3A_414 = arith.constant 0 : i32
      %get3A_415 = arith.index_cast %get3A_414 : i32 to index
      %get3A_416 = arith.index_cast %scan3A_408 : i32 to index
      %get3A_417 = arith.constant 16 : index
      %get3A_418 = tpu.vector_load %arg15[%get3A_415, %get3A_416, %get3A_417] {strides = array<i32>} : memref<4x128x32xf32, #tpu.memory_space<vmem>>, vector<1x1x16xf32>,
      %get3A_419 = vector.shape_cast %get3A_418 : vector<1x1x16xf32> to vector<16xf32>
      %get3A_420 = arith.constant 0 : i32
      %get3A_421 = arith.index_cast %get3A_420 : i32 to index
      %get3A_422 = arith.index_cast %scan3A_408 : i32 to index
      %get3A_423 = arith.constant 0 : index
      %get3A_424 = tpu.vector_load %arg16[%get3A_421, %get3A_422, %get3A_423] {strides = array<i32>} : memref<4x128x32xf32, #tpu.memory_space<vmem>>, vector<1x1x16xf32>,
      %get3A_425 = vector.shape_cast %get3A_424 : vector<1x1x16xf32> to vector<16xf32>
      %get3A_426 = arith.constant 0 : i32
      %get3A_427 = arith.index_cast %get3A_426 : i32 to index
      %get3A_428 = arith.index_cast %scan3A_408 : i32 to index
      %get3A_429 = arith.constant 0 : index
      %get3A_430 = tpu.vector_load %arg17[%get3A_427, %get3A_428, %get3A_429] {strides = array<i32>} : memref<4x128x32xf32, #tpu.memory_space<vmem>>, vector<1x1x16xf32>,
      %get3A_431 = vector.shape_cast %get3A_430 : vector<1x1x16xf32> to vector<16xf32>
      %add3A_432 = arith.addf %get3A_425, %get3A_431 : vector<16xf32>
      %get3A_433 = arith.constant 0 : i32
      %get3A_434 = arith.index_cast %get3A_433 : i32 to index
      %get3A_435 = arith.index_cast %scan3A_408 : i32 to index
      %get3A_436 = arith.constant 0 : index
      %get3A_437 = tpu.vector_load %arg18[%get3A_434, %get3A_435, %get3A_436] {strides = array<i32>} : memref<4x128x32xf32, #tpu.memory_space<vmem>>, vector<1x1x16xf32>,
      %get3A_438 = vector.shape_cast %get3A_437 : vector<1x1x16xf32> to vector<16xf32>
      %add3A_439 = arith.addf %add3A_432, %get3A_438 : vector<16xf32>
      %get3A_440 = arith.constant 0 : i32
      %get3A_441 = arith.index_cast %get3A_440 : i32 to index
      %get3A_442 = arith.index_cast %scan3A_408 : i32 to index
      %get3A_443 = arith.constant 16 : index
      %get3A_444 = tpu.vector_load %arg16[%get3A_441, %get3A_442, %get3A_443] {strides = array<i32>} : memref<4x128x32xf32, #tpu.memory_space<vmem>>, vector<1x1x16xf32>,
      %get3A_445 = vector.shape_cast %get3A_444 : vector<1x1x16xf32> to vector<16xf32>
      %get3A_446 = arith.constant 0 : i32
      %get3A_447 = arith.index_cast %get3A_446 : i32 to index
      %get3A_448 = arith.index_cast %scan3A_408 : i32 to index
      %get3A_449 = arith.constant 16 : index
      %get3A_450 = tpu.vector_load %arg17[%get3A_447, %get3A_448, %get3A_449] {strides = array<i32>} : memref<4x128x32xf32, #tpu.memory_space<vmem>>, vector<1x1x16xf32>,
      %get3A_451 = vector.shape_cast %get3A_450 : vector<1x1x16xf32> to vector<16xf32>
      %add3A_452 = arith.addf %get3A_445, %get3A_451 : vector<16xf32>
      %get3A_453 = arith.constant 0 : i32
      %get3A_454 = arith.index_cast %get3A_453 : i32 to index
      %get3A_455 = arith.index_cast %scan3A_408 : i32 to index
      %get3A_456 = arith.constant 16 : index
      %get3A_457 = tpu.vector_load %arg18[%get3A_454, %get3A_455, %get3A_456] {strides = array<i32>} : memref<4x128x32xf32, #tpu.memory_space<vmem>>, vector<1x1x16xf32>,
      %get3A_458 = vector.shape_cast %get3A_457 : vector<1x1x16xf32> to vector<16xf32>
      %add3A_459 = arith.addf %add3A_452, %get3A_458 : vector<16xf32>
      %mul3A_460 = arith.mulf %get3A_413, %add3A_439 : vector<16xf32>
      %mul3A_461 = arith.mulf %get3A_419, %add3A_459 : vector<16xf32>
      %add3A_462 = arith.addf %mul3A_460, %mul3A_461 : vector<16xf32>
      %mul3A_463 = arith.constant 16 : i32
      %mul3A_464 = arith.muli %scan3A_408, %mul3A_463 : i32
      %swap3A = arith.constant 0 : i32
      %swap3A_465 = arith.index_cast %swap3A : i32 to index
      %swap3A_466 = arith.index_cast %mul3A_464 : i32 to index
      %swap3A_467 = tpu.vector_load %arg19[%swap3A_465, %swap3A_466] {strides = array<i32>} : memref<4x2048xf32, #tpu.memory_space<vmem>>, vector<1x16xf32>,
      %swap3A_468 = vector.shape_cast %swap3A_467 : vector<1x16xf32> to vector<16xf32>
      %swap3A_469 = vector.shape_cast %add3A_462 : vector<16xf32> to vector<1x16xf32>
      tpu.vector_store %arg19[%swap3A_465, %swap3A_466], %swap3A_469 {strides = array<i32>} : memref<4x2048xf32, #tpu.memory_space<vmem>>, vector<1x16xf32>,
    }
    %scan3A_389 = arith.constant 128 : i32
    %scan3A_390 = arith.constant 0 : i32
    %scan3A_391 = arith.constant 0 : i32
    %scan3A_392 = arith.constant 128 : i32
    %scan3A_393 = arith.addi %scan3A_391, %scan3A_392 : i32
    %scan3A_394 = arith.constant 1 : i32
    scf.for %scan3A_408 = %scan3A_391 to %scan3A_393 step %scan3A_394  : i32 {
      %get3A = arith.constant 1 : i32
      %get3A_409 = arith.index_cast %get3A : i32 to index
      %get3A_410 = arith.index_cast %scan3A_408 : i32 to index
      %get3A_411 = arith.constant 0 : index
      %get3A_412 = tpu.vector_load %arg15[%get3A_409, %get3A_410, %get3A_411] {strides = array<i32>} : memref<4x128x32xf32, #tpu.memory_space<vmem>>, vector<1x1x16xf32>,
      %get3A_413 = vector.shape_cast %get3A_412 : vector<1x1x16xf32> to vector<16xf32>
      %get3A_414 = arith.constant 1 : i32
      %get3A_415 = arith.index_cast %get3A_414 : i32 to index
      %get3A_416 = arith.index_cast %scan3A_408 : i32 to index
      %get3A_417 = arith.constant 16 : index
      %get3A_418 = tpu.vector_load %arg15[%get3A_415, %get3A_416, %get3A_417] {strides = array<i32>} : memref<4x128x32xf32, #tpu.memory_space<vmem>>, vector<1x1x16xf32>,
      %get3A_419 = vector.shape_cast %get3A_418 : vector<1x1x16xf32> to vector<16xf32>
      %get3A_420 = arith.constant 1 : i32
      %get3A_421 = arith.index_cast %get3A_420 : i32 to index
      %get3A_422 = arith.index_cast %scan3A_408 : i32 to index
      %get3A_423 = arith.constant 0 : index
      %get3A_424 = tpu.vector_load %arg16[%get3A_421, %get3A_422, %get3A_423] {strides = array<i32>} : memref<4x128x32xf32, #tpu.memory_space<vmem>>, vector<1x1x16xf32>,
      %get3A_425 = vector.shape_cast %get3A_424 : vector<1x1x16xf32> to vector<16xf32>
      %get3A_426 = arith.constant 1 : i32
      %get3A_427 = arith.index_cast %get3A_426 : i32 to index
      %get3A_428 = arith.index_cast %scan3A_408 : i32 to index
      %get3A_429 = arith.constant 0 : index
      %get3A_430 = tpu.vector_load %arg17[%get3A_427, %get3A_428, %get3A_429] {strides = array<i32>} : memref<4x128x32xf32, #tpu.memory_space<vmem>>, vector<1x1x16xf32>,
      %get3A_431 = vector.shape_cast %get3A_430 : vector<1x1x16xf32> to vector<16xf32>
      %add3A_432 = arith.addf %get3A_425, %get3A_431 : vector<16xf32>
      %get3A_433 = arith.constant 1 : i32
      %get3A_434 = arith.index_cast %get3A_433 : i32 to index
      %get3A_435 = arith.index_cast %scan3A_408 : i32 to index
      %get3A_436 = arith.constant 0 : index
      %get3A_437 = tpu.vector_load %arg18[%get3A_434, %get3A_435, %get3A_436] {strides = array<i32>} : memref<4x128x32xf32, #tpu.memory_space<vmem>>, vector<1x1x16xf32>,
      %get3A_438 = vector.shape_cast %get3A_437 : vector<1x1x16xf32> to vector<16xf32>
      %add3A_439 = arith.addf %add3A_432, %get3A_438 : vector<16xf32>
      %get3A_440 = arith.constant 1 : i32
      %get3A_441 = arith.index_cast %get3A_440 : i32 to index
      %get3A_442 = arith.index_cast %scan3A_408 : i32 to index
      %get3A_443 = arith.constant 16 : index
      %get3A_444 = tpu.vector_load %arg16[%get3A_441, %get3A_442, %get3A_443] {strides = array<i32>} : memref<4x128x32xf32, #tpu.memory_space<vmem>>, vector<1x1x16xf32>,
      %get3A_445 = vector.shape_cast %get3A_444 : vector<1x1x16xf32> to vector<16xf32>
      %get3A_446 = arith.constant 1 : i32
      %get3A_447 = arith.index_cast %get3A_446 : i32 to index
      %get3A_448 = arith.index_cast %scan3A_408 : i32 to index
      %get3A_449 = arith.constant 16 : index
      %get3A_450 = tpu.vector_load %arg17[%get3A_447, %get3A_448, %get3A_449] {strides = array<i32>} : memref<4x128x32xf32, #tpu.memory_space<vmem>>, vector<1x1x16xf32>,
      %get3A_451 = vector.shape_cast %get3A_450 : vector<1x1x16xf32> to vector<16xf32>
      %add3A_452 = arith.addf %get3A_445, %get3A_451 : vector<16xf32>
      %get3A_453 = arith.constant 1 : i32
      %get3A_454 = arith.index_cast %get3A_453 : i32 to index
      %get3A_455 = arith.index_cast %scan3A_408 : i32 to index
      %get3A_456 = arith.constant 16 : index
      %get3A_457 = tpu.vector_load %arg18[%get3A_454, %get3A_455, %get3A_456] {strides = array<i32>} : memref<4x128x32xf32, #tpu.memory_space<vmem>>, vector<1x1x16xf32>,
      %get3A_458 = vector.shape_cast %get3A_457 : vector<1x1x16xf32> to vector<16xf32>
      %add3A_459 = arith.addf %add3A_452, %get3A_458 : vector<16xf32>
      %mul3A_460 = arith.mulf %get3A_413, %add3A_439 : vector<16xf32>
      %mul3A_461 = arith.mulf %get3A_419, %add3A_459 : vector<16xf32>
      %add3A_462 = arith.addf %mul3A_460, %mul3A_461 : vector<16xf32>
      %mul3A_463 = arith.constant 16 : i32
      %mul3A_464 = arith.muli %scan3A_408, %mul3A_463 : i32
      %swap3A = arith.constant 1 : i32
      %swap3A_465 = arith.index_cast %swap3A : i32 to index
      %swap3A_466 = arith.index_cast %mul3A_464 : i32 to index
      %swap3A_467 = tpu.vector_load %arg19[%swap3A_465, %swap3A_466] {strides = array<i32>} : memref<4x2048xf32, #tpu.memory_space<vmem>>, vector<1x16xf32>,
      %swap3A_468 = vector.shape_cast %swap3A_467 : vector<1x16xf32> to vector<16xf32>
      %swap3A_469 = vector.shape_cast %add3A_462 : vector<16xf32> to vector<1x16xf32>
      tpu.vector_store %arg19[%swap3A_465, %swap3A_466], %swap3A_469 {strides = array<i32>} : memref<4x2048xf32, #tpu.memory_space<vmem>>, vector<1x16xf32>,
    }
    %scan3A_395 = arith.constant 128 : i32
    %scan3A_396 = arith.constant 0 : i32
    %scan3A_397 = arith.constant 0 : i32
    %scan3A_398 = arith.constant 128 : i32
    %scan3A_399 = arith.addi %scan3A_397, %scan3A_398 : i32
    %scan3A_400 = arith.constant 1 : i32
    scf.for %scan3A_408 = %scan3A_397 to %scan3A_399 step %scan3A_400  : i32 {
      %get3A = arith.constant 2 : i32
      %get3A_409 = arith.index_cast %get3A : i32 to index
      %get3A_410 = arith.index_cast %scan3A_408 : i32 to index
      %get3A_411 = arith.constant 0 : index
      %get3A_412 = tpu.vector_load %arg15[%get3A_409, %get3A_410, %get3A_411] {strides = array<i32>} : memref<4x128x32xf32, #tpu.memory_space<vmem>>, vector<1x1x16xf32>,
      %get3A_413 = vector.shape_cast %get3A_412 : vector<1x1x16xf32> to vector<16xf32>
      %get3A_414 = arith.constant 2 : i32
      %get3A_415 = arith.index_cast %get3A_414 : i32 to index
      %get3A_416 = arith.index_cast %scan3A_408 : i32 to index
      %get3A_417 = arith.constant 16 : index
      %get3A_418 = tpu.vector_load %arg15[%get3A_415, %get3A_416, %get3A_417] {strides = array<i32>} : memref<4x128x32xf32, #tpu.memory_space<vmem>>, vector<1x1x16xf32>,
      %get3A_419 = vector.shape_cast %get3A_418 : vector<1x1x16xf32> to vector<16xf32>
      %get3A_420 = arith.constant 2 : i32
      %get3A_421 = arith.index_cast %get3A_420 : i32 to index
      %get3A_422 = arith.index_cast %scan3A_408 : i32 to index
      %get3A_423 = arith.constant 0 : index
      %get3A_424 = tpu.vector_load %arg16[%get3A_421, %get3A_422, %get3A_423] {strides = array<i32>} : memref<4x128x32xf32, #tpu.memory_space<vmem>>, vector<1x1x16xf32>,
      %get3A_425 = vector.shape_cast %get3A_424 : vector<1x1x16xf32> to vector<16xf32>
      %get3A_426 = arith.constant 2 : i32
      %get3A_427 = arith.index_cast %get3A_426 : i32 to index
      %get3A_428 = arith.index_cast %scan3A_408 : i32 to index
      %get3A_429 = arith.constant 0 : index
      %get3A_430 = tpu.vector_load %arg17[%get3A_427, %get3A_428, %get3A_429] {strides = array<i32>} : memref<4x128x32xf32, #tpu.memory_space<vmem>>, vector<1x1x16xf32>,
      %get3A_431 = vector.shape_cast %get3A_430 : vector<1x1x16xf32> to vector<16xf32>
      %add3A_432 = arith.addf %get3A_425, %get3A_431 : vector<16xf32>
      %get3A_433 = arith.constant 2 : i32
      %get3A_434 = arith.index_cast %get3A_433 : i32 to index
      %get3A_435 = arith.index_cast %scan3A_408 : i32 to index
      %get3A_436 = arith.constant 0 : index
      %get3A_437 = tpu.vector_load %arg18[%get3A_434, %get3A_435, %get3A_436] {strides = array<i32>} : memref<4x128x32xf32, #tpu.memory_space<vmem>>, vector<1x1x16xf32>,
      %get3A_438 = vector.shape_cast %get3A_437 : vector<1x1x16xf32> to vector<16xf32>
      %add3A_439 = arith.addf %add3A_432, %get3A_438 : vector<16xf32>
      %get3A_440 = arith.constant 2 : i32
      %get3A_441 = arith.index_cast %get3A_440 : i32 to index
      %get3A_442 = arith.index_cast %scan3A_408 : i32 to index
      %get3A_443 = arith.constant 16 : index
      %get3A_444 = tpu.vector_load %arg16[%get3A_441, %get3A_442, %get3A_443] {strides = array<i32>} : memref<4x128x32xf32, #tpu.memory_space<vmem>>, vector<1x1x16xf32>,
      %get3A_445 = vector.shape_cast %get3A_444 : vector<1x1x16xf32> to vector<16xf32>
      %get3A_446 = arith.constant 2 : i32
      %get3A_447 = arith.index_cast %get3A_446 : i32 to index
      %get3A_448 = arith.index_cast %scan3A_408 : i32 to index
      %get3A_449 = arith.constant 16 : index
      %get3A_450 = tpu.vector_load %arg17[%get3A_447, %get3A_448, %get3A_449] {strides = array<i32>} : memref<4x128x32xf32, #tpu.memory_space<vmem>>, vector<1x1x16xf32>,
      %get3A_451 = vector.shape_cast %get3A_450 : vector<1x1x16xf32> to vector<16xf32>
      %add3A_452 = arith.addf %get3A_445, %get3A_451 : vector<16xf32>
      %get3A_453 = arith.constant 2 : i32
      %get3A_454 = arith.index_cast %get3A_453 : i32 to index
      %get3A_455 = arith.index_cast %scan3A_408 : i32 to index
      %get3A_456 = arith.constant 16 : index
      %get3A_457 = tpu.vector_load %arg18[%get3A_454, %get3A_455, %get3A_456] {strides = array<i32>} : memref<4x128x32xf32, #tpu.memory_space<vmem>>, vector<1x1x16xf32>,
      %get3A_458 = vector.shape_cast %get3A_457 : vector<1x1x16xf32> to vector<16xf32>
      %add3A_459 = arith.addf %add3A_452, %get3A_458 : vector<16xf32>
      %mul3A_460 = arith.mulf %get3A_413, %add3A_439 : vector<16xf32>
      %mul3A_461 = arith.mulf %get3A_419, %add3A_459 : vector<16xf32>
      %add3A_462 = arith.addf %mul3A_460, %mul3A_461 : vector<16xf32>
      %mul3A_463 = arith.constant 16 : i32
      %mul3A_464 = arith.muli %scan3A_408, %mul3A_463 : i32
      %swap3A = arith.constant 2 : i32
      %swap3A_465 = arith.index_cast %swap3A : i32 to index
      %swap3A_466 = arith.index_cast %mul3A_464 : i32 to index
      %swap3A_467 = tpu.vector_load %arg19[%swap3A_465, %swap3A_466] {strides = array<i32>} : memref<4x2048xf32, #tpu.memory_space<vmem>>, vector<1x16xf32>,
      %swap3A_468 = vector.shape_cast %swap3A_467 : vector<1x16xf32> to vector<16xf32>
      %swap3A_469 = vector.shape_cast %add3A_462 : vector<16xf32> to vector<1x16xf32>
      tpu.vector_store %arg19[%swap3A_465, %swap3A_466], %swap3A_469 {strides = array<i32>} : memref<4x2048xf32, #tpu.memory_space<vmem>>, vector<1x16xf32>,
    }
    %scan3A_401 = arith.constant 128 : i32
    %scan3A_402 = arith.constant 0 : i32
    %scan3A_403 = arith.constant 0 : i32
    %scan3A_404 = arith.constant 128 : i32
    %scan3A_405 = arith.addi %scan3A_403, %scan3A_404 : i32
    %scan3A_406 = arith.constant 1 : i32
    scf.for %scan3A_408 = %scan3A_403 to %scan3A_405 step %scan3A_406  : i32 {
      %get3A = arith.constant 3 : i32
      %get3A_409 = arith.index_cast %get3A : i32 to index
      %get3A_410 = arith.index_cast %scan3A_408 : i32 to index
      %get3A_411 = arith.constant 0 : index
      %get3A_412 = tpu.vector_load %arg15[%get3A_409, %get3A_410, %get3A_411] {strides = array<i32>} : memref<4x128x32xf32, #tpu.memory_space<vmem>>, vector<1x1x16xf32>,
      %get3A_413 = vector.shape_cast %get3A_412 : vector<1x1x16xf32> to vector<16xf32>
      %get3A_414 = arith.constant 3 : i32
      %get3A_415 = arith.index_cast %get3A_414 : i32 to index
      %get3A_416 = arith.index_cast %scan3A_408 : i32 to index
      %get3A_417 = arith.constant 16 : index
      %get3A_418 = tpu.vector_load %arg15[%get3A_415, %get3A_416, %get3A_417] {strides = array<i32>} : memref<4x128x32xf32, #tpu.memory_space<vmem>>, vector<1x1x16xf32>,
      %get3A_419 = vector.shape_cast %get3A_418 : vector<1x1x16xf32> to vector<16xf32>
      %get3A_420 = arith.constant 3 : i32
      %get3A_421 = arith.index_cast %get3A_420 : i32 to index
      %get3A_422 = arith.index_cast %scan3A_408 : i32 to index
      %get3A_423 = arith.constant 0 : index
      %get3A_424 = tpu.vector_load %arg16[%get3A_421, %get3A_422, %get3A_423] {strides = array<i32>} : memref<4x128x32xf32, #tpu.memory_space<vmem>>, vector<1x1x16xf32>,
      %get3A_425 = vector.shape_cast %get3A_424 : vector<1x1x16xf32> to vector<16xf32>
      %get3A_426 = arith.constant 3 : i32
      %get3A_427 = arith.index_cast %get3A_426 : i32 to index
      %get3A_428 = arith.index_cast %scan3A_408 : i32 to index
      %get3A_429 = arith.constant 0 : index
      %get3A_430 = tpu.vector_load %arg17[%get3A_427, %get3A_428, %get3A_429] {strides = array<i32>} : memref<4x128x32xf32, #tpu.memory_space<vmem>>, vector<1x1x16xf32>,
      %get3A_431 = vector.shape_cast %get3A_430 : vector<1x1x16xf32> to vector<16xf32>
      %add3A_432 = arith.addf %get3A_425, %get3A_431 : vector<16xf32>
      %get3A_433 = arith.constant 3 : i32
      %get3A_434 = arith.index_cast %get3A_433 : i32 to index
      %get3A_435 = arith.index_cast %scan3A_408 : i32 to index
      %get3A_436 = arith.constant 0 : index
      %get3A_437 = tpu.vector_load %arg18[%get3A_434, %get3A_435, %get3A_436] {strides = array<i32>} : memref<4x128x32xf32, #tpu.memory_space<vmem>>, vector<1x1x16xf32>,
      %get3A_438 = vector.shape_cast %get3A_437 : vector<1x1x16xf32> to vector<16xf32>
      %add3A_439 = arith.addf %add3A_432, %get3A_438 : vector<16xf32>
      %get3A_440 = arith.constant 3 : i32
      %get3A_441 = arith.index_cast %get3A_440 : i32 to index
      %get3A_442 = arith.index_cast %scan3A_408 : i32 to index
      %get3A_443 = arith.constant 16 : index
      %get3A_444 = tpu.vector_load %arg16[%get3A_441, %get3A_442, %get3A_443] {strides = array<i32>} : memref<4x128x32xf32, #tpu.memory_space<vmem>>, vector<1x1x16xf32>,
      %get3A_445 = vector.shape_cast %get3A_444 : vector<1x1x16xf32> to vector<16xf32>
      %get3A_446 = arith.constant 3 : i32
      %get3A_447 = arith.index_cast %get3A_446 : i32 to index
      %get3A_448 = arith.index_cast %scan3A_408 : i32 to index
      %get3A_449 = arith.constant 16 : index
      %get3A_450 = tpu.vector_load %arg17[%get3A_447, %get3A_448, %get3A_449] {strides = array<i32>} : memref<4x128x32xf32, #tpu.memory_space<vmem>>, vector<1x1x16xf32>,
      %get3A_451 = vector.shape_cast %get3A_450 : vector<1x1x16xf32> to vector<16xf32>
      %add3A_452 = arith.addf %get3A_445, %get3A_451 : vector<16xf32>
      %get3A_453 = arith.constant 3 : i32
      %get3A_454 = arith.index_cast %get3A_453 : i32 to index
      %get3A_455 = arith.index_cast %scan3A_408 : i32 to index
      %get3A_456 = arith.constant 16 : index
      %get3A_457 = tpu.vector_load %arg18[%get3A_454, %get3A_455, %get3A_456] {strides = array<i32>} : memref<4x128x32xf32, #tpu.memory_space<vmem>>, vector<1x1x16xf32>,
      %get3A_458 = vector.shape_cast %get3A_457 : vector<1x1x16xf32> to vector<16xf32>
      %add3A_459 = arith.addf %add3A_452, %get3A_458 : vector<16xf32>
      %mul3A_460 = arith.mulf %get3A_413, %add3A_439 : vector<16xf32>
      %mul3A_461 = arith.mulf %get3A_419, %add3A_459 : vector<16xf32>
      %add3A_462 = arith.addf %mul3A_460, %mul3A_461 : vector<16xf32>
      %mul3A_463 = arith.constant 16 : i32
      %mul3A_464 = arith.muli %scan3A_408, %mul3A_463 : i32
      %swap3A = arith.constant 3 : i32
      %swap3A_465 = arith.index_cast %swap3A : i32 to index
      %swap3A_466 = arith.index_cast %mul3A_464 : i32 to index
      %swap3A_467 = tpu.vector_load %arg19[%swap3A_465, %swap3A_466] {strides = array<i32>} : memref<4x2048xf32, #tpu.memory_space<vmem>>, vector<1x16xf32>,
      %swap3A_468 = vector.shape_cast %swap3A_467 : vector<1x16xf32> to vector<16xf32>
      %swap3A_469 = vector.shape_cast %add3A_462 : vector<16xf32> to vector<1x16xf32>
      tpu.vector_store %arg19[%swap3A_465, %swap3A_466], %swap3A_469 {strides = array<i32>} : memref<4x2048xf32, #tpu.memory_space<vmem>>, vector<1x16xf32>,
    }
    %scan3A_407 = arith.constant 128 : i32
    "tpu.region"() ({
      %run_scoped3A = tpu.sem_alloc : memref<!tpu.dma_semaphore, #tpu.memory_space<semaphore_mem>>
      %dma_start3A_408 = arith.constant 0 : i32
      %dma_start3A_409 = tpu.memref_slice %arg10[%mul3A_2, %dma_start3A_408] : memref<128x2048xf32, #tpu.memory_space<hbm>> -> memref<4x2048xf32, #tpu.memory_space<hbm>>
      %dma_start3A_410 = arith.constant 0 : i32
      %dma_start3A_411 = tpu.memref_slice %arg10[%mul3A_2, %dma_start3A_410] : memref<128x2048xf32, #tpu.memory_space<hbm>> -> memref<4x2048xf32, #tpu.memory_space<hbm>>
      tpu.enqueue_dma source(%arg19 : memref<4x2048xf32, #tpu.memory_space<vmem>>) target(%dma_start3A_411 : memref<4x2048xf32, #tpu.memory_space<hbm>>) target_semaphore(%run_scoped3A : memref<!tpu.dma_semaphore, #tpu.memory_space<semaphore_mem>>)
      %dma_wait3A_412 = arith.constant 0 : i32
      %dma_wait3A_413 = tpu.memref_slice %arg10[%mul3A_2, %dma_wait3A_412] : memref<128x2048xf32, #tpu.memory_space<hbm>> -> memref<4x2048xf32, #tpu.memory_space<hbm>>
      %dma_wait3A_414 = arith.constant 0 : i32
      %dma_wait3A_415 = tpu.memref_slice %arg10[%mul3A_2, %dma_wait3A_414] : memref<128x2048xf32, #tpu.memory_space<hbm>> -> memref<4x2048xf32, #tpu.memory_space<hbm>>
      tpu.wait_dma2 semaphore(%run_scoped3A : memref<!tpu.dma_semaphore, #tpu.memory_space<semaphore_mem>>) src(%arg19 : memref<4x2048xf32, #tpu.memory_space<vmem>>) dst(%dma_wait3A_415 : memref<4x2048xf32, #tpu.memory_space<hbm>>)
      tpu.yield
    }) : () -> ()
    return
  }
}

module attributes {stable_mosaic.version = 14 : i64} {
  func.func @body(%arg0: memref<16384x16xf32, #tpu.memory_space<vmem>>, %arg1: memref<16384x1xf32, #tpu.memory_space<vmem>>) attributes {dimension_semantics = [], scalar_prefetch = 0 : i64, scratch_operands = 0 : i64, tpu.core_type = #tpu.core_type<tc>} {
    %get3A = arith.constant 0 : index
    %get3A_0 = arith.constant 0 : index
    %get3A_1 = vector.load %arg0[%get3A, %get3A_0] : memref<16384x16xf32, #tpu.memory_space<vmem>>, vector<16384x16xf32>
    %reduce_sum3A = arith.constant dense<0.000000e+00> : vector<16384xf32>
    %reduce_sum3A_2 = vector.multi_reduction <add>, %get3A_1, %reduce_sum3A [1] : vector<16384x16xf32> to vector<16384xf32>
    %broadcast_in_dim3A = vector.shape_cast %reduce_sum3A_2 : vector<16384xf32> to vector<16384x1xf32>
    %swap3A = arith.constant 0 : index
    %swap3A_3 = arith.constant 0 : index
    %swap3A_4 = vector.load %arg1[%swap3A, %swap3A_3] : memref<16384x1xf32, #tpu.memory_space<vmem>>, vector<16384x1xf32>
    tpu.vector_store %arg1[%swap3A, %swap3A_3], %broadcast_in_dim3A {strides = array<i32>} : memref<16384x1xf32, #tpu.memory_space<vmem>>, vector<16384x1xf32>,
    return
  }
}

</mosaic_0001>

<sc_bundles>
// kernel: kernel.4.cloned.1.call-start
scs
__scs_entry_jumppad:
0x0: {  	(pc) =	sbr.rel $0x88, $3  }
0x1: {  	(tag) =	ssettag $0x0;
	lr =	simm.s32 $0x1  }
0x2: {  	[smem:$0x3F9A] =	sst lr;
	_ =	strace $0xD0000000  }
0x3: {  	_ = 	snop  }
0x4: {  	_ = 	snop  }
0x5: {  	_ = 	snop  }
0x6: {  	_ = 	snop  }
0x7: {  	_ = 	snop  }
__scs_overlays_trampoline_lowered:
0x8: {  	[smem:$0x3FA9] =	sst s0  }
0x9: {  	[smem:$0x3FAA] =	sst s1  }
0xa: {  	[smem:$0x3FAB] =	sst s2  }
0xb: {  	[smem:$0x3FAC] =	sst s3  }
0xc: {  	[smem:$0x3FAD] =	sst s4  }
0xd: {  	[smem:$0x3FAE] =	sst s5  }
0xe: {  	[smem:$0x3FAF] =	sst s6  }
0xf: {  	[smem:$0x3FB0] =	sst s7  }
0x10: {  	[smem:$0x3FB1] =	sst s8  }
0x11: {  	[smem:$0x3FB2] =	sst s9;
	s0 =	simm.s32 @!p0 $0x0  }
0x12: {  	s1 =	sld [smem:$0x3F98];
	s0 =	simm.s32 @p0 $0x1  }
0x13: {  	[smem:$0x3FB3] =	sst s0;
	s0 =	simm.s32 @!p1 $0x0  }
0x14: {  	s2 =	sld [smem:$0x3F97];
	s0 =	simm.s32 @p1 $0x1  }
0x15: {  	[smem:$0x3FB4] =	sst s0;
	s0 =	simm.s32 @!p2 $0x0  }
0x16: {  	s3 =	sld [smem:$0x3FDB];
	s0 =	simm.s32 @p2 $0x1  }
0x17: {  	s4 =	simm.s32 $0x1BF5;
	[smem:$0x3FB6] =	sst s0  }
0x18: {  	s0 =	sld [smem:$0x3F99];
	_ =	swait.ge [sflag:s4], $0x0  }
0x19: {  	s7 =	sld [smem:$0x3F9A]  }
0x1a: {  	s8 =	sadd.s32 $0xFFFFE003, lr  }
0x1b: {  	s9 =	sadd.s32 $0xFFFFFEF7, lr;
	s5 =	simm.s32 $0xFFFFFFFF;
	p2 =	slt.u32 s8, $0xFFFFF086  }
0x1c: {  	p1 =	slt.u32 s9, $0xF7A;
	s5 =	simm.s32 @!p2 $0x0  }
0x1d: {  	s5 =	simm.s32 @p1 $0x1;
	p0 =	seq.s32 s7, s2  }
0x1e: {  	s7 =	smul.u32 @!p0 $0xF7A, s2;
	p2 =	seq.s32 @!p0 s5, $0x0  }
0x1f: {  	s9 =	smul.u32 $0xF7A, s1;
	s8 =	simm.s32 @!p0 $0x1BF5;
	p2 =	por !p2, p0  }
0x20: {  	[sflag:s8] =	ssyncset.s32 @!p0 $0xFFFFF086;
	s6 =	sadd.s32 @!p0 s3, s7;
	s7 =	simm.s32 @!p0 $0x108  }
0x21: {  	s3 =	sadd.s32 s3, s9;
	s6 =	sadd.s32 @!p0 $0x88, s6;
	s7 =	simm.s32 @p2 $0x1082  }
0x22: {  	[simem:s7], [sflag:s8] =	dma.local @!p0 [hbm:s6], $0xF7A  }
0x23: {  	s9 =	sor.u32 $0xD0000000, s2;
	s6 =	simm.s32 $0x108;
	_ =	swait.ge @!p0 [sflag:s8], $0x0  }
0x24: {  	s3 =	sadd.s32 $0x88, s3;
	s6 =	simm.s32 @!p1 $0x1082;
	[sflag:s4] =	ssyncset.s32 $0xFFFFF086  }
0x25: {  	[simem:s6], [sflag:s4] =	dma.local [hbm:s3], $0xF7A  }
0x26: {  	[smem:$0x3F9A] =	sst s1;
	(tag) =	ssettag s2;
	_ =	strace s9  }
0x27: {  	s1 =	sld [smem:$0x3FAA]  }
0x28: {  	s2 =	sld [smem:$0x3FAB]  }
0x29: {  	s4 =	sld [smem:$0x3FAD]  }
0x2a: {  	p0 =	seq.s32 s5, $0x0;
	s5 =	sld [smem:$0x3FAE]  }
0x2b: {  	s6 =	sld [smem:$0x3FAF]  }
0x2c: {  	s7 =	sld [smem:$0x3FB0]  }
0x2d: {  	s3 =	simm.s32 $0x108;
	s8 =	sld [smem:$0x3FB1]  }
0x2e: {  	s3 =	simm.s32 @!p0 $0x1082;
	s9 =	sld [smem:$0x3FB2]  }
0x2f: {  	lr =	sadd.s32 s0, s3;
	s0 =	sld [smem:$0x3FA9]  }
0x30: {  	s3 =	sld [smem:$0x3FAC]  }
0x31: {  	[smem:$0x3FB5] =	sst s10  }
0x32: {  	s10 =	sld [smem:$0x3FB3];
	_ =	sdelay $0x3  }
0x33: {  	p0 =	seq.s32 s10, $0x1;
	s10 =	sld [smem:$0x3FB5];
	_ =	sdelay $0x3  }
0x34: {  	[smem:$0x3FB5] =	sst s10  }
0x35: {  	s10 =	sld [smem:$0x3FB4];
	_ =	sdelay $0x3  }
0x36: {  	p1 =	seq.s32 s10, $0x1;
	s10 =	sld [smem:$0x3FB5];
	_ =	sdelay $0x3  }
0x37: {  	[smem:$0x3FB5] =	sst s10  }
0x38: {  	s10 =	sld [smem:$0x3FB6]  }
0x39: {  	_ = 	snop;
	(pc) =	sbr.ind lr, $3  }
0x3a: {  	_ = 	snop  }
0x3b: {  	_ = 	snop  }
0x3c: {  	p2 =	seq.s32 s10, $0x1;
	s10 =	sld [smem:$0x3FB5]  }
0x3d: {  	_ =	shalt  }
0x3e: {  	_ =	shalt  }
0x3f: {  	_ =	shalt  }
0x40: {  	_ =	shalt  }
0x41: {  	_ =	shalt  }
0x42: {  	_ =	shalt  }
0x43: {  	_ =	shalt  }
0x44: {  	_ =	shalt  }
0x45: {  	_ =	shalt  }
0x46: {  	_ =	shalt  }
0x47: {  	_ =	shalt  }
0x48: {  	_ =	shalt  }
0x49: {  	_ =	shalt  }
0x4a: {  	_ =	shalt  }
0x4b: {  	_ =	shalt  }
0x4c: {  	_ =	shalt  }
0x4d: {  	_ =	shalt  }
0x4e: {  	_ =	shalt  }
0x4f: {  	_ =	shalt  }
0x50: {  	_ =	shalt  }
0x51: {  	_ =	shalt  }
0x52: {  	_ =	shalt  }
0x53: {  	_ =	shalt  }
0x54: {  	_ =	shalt  }
0x55: {  	_ =	shalt  }
0x56: {  	_ =	shalt  }
0x57: {  	_ =	shalt  }
0x58: {  	_ =	shalt  }
0x59: {  	_ =	shalt  }
0x5a: {  	_ =	shalt  }
0x5b: {  	_ =	shalt  }
0x5c: {  	_ =	shalt  }
0x5d: {  	_ =	shalt  }
0x5e: {  	_ =	shalt  }
0x5f: {  	_ =	shalt  }
0x60: {  	_ =	shalt  }
0x61: {  	_ =	shalt  }
0x62: {  	_ =	shalt  }
0x63: {  	_ =	shalt  }
0x64: {  	_ =	shalt  }
0x65: {  	_ =	shalt  }
0x66: {  	_ =	shalt  }
0x67: {  	_ =	shalt  }
0x68: {  	_ =	shalt  }
0x69: {  	_ =	shalt  }
0x6a: {  	_ =	shalt  }
0x6b: {  	_ =	shalt  }
0x6c: {  	_ =	shalt  }
0x6d: {  	_ =	shalt  }
0x6e: {  	_ =	shalt  }
0x6f: {  	_ =	shalt  }
0x70: {  	_ =	shalt  }
0x71: {  	_ =	shalt  }
0x72: {  	_ =	shalt  }
0x73: {  	_ =	shalt  }
0x74: {  	_ =	shalt  }
0x75: {  	_ =	shalt  }
0x76: {  	_ =	shalt  }
0x77: {  	_ =	shalt  }
0x78: {  	_ =	shalt  }
0x79: {  	_ =	shalt  }
0x7a: {  	_ =	shalt  }
0x7b: {  	_ =	shalt  }
0x7c: {  	_ =	shalt  }
0x7d: {  	_ =	shalt  }
0x7e: {  	_ =	shalt  }
0x7f: {  	_ =	shalt  }
0x80: {  	_ =	shalt  }
0x81: {  	_ =	shalt  }
0x82: {  	_ =	shalt  }
0x83: {  	_ =	shalt  }
0x84: {  	_ =	shalt  }
0x85: {  	_ =	shalt  }
0x86: {  	_ =	shalt  }
0x87: {  	_ =	shalt  }
.Lfunc_end0:
.L_simem_size_0:
called_computation_lowered:
.L_overlay_start_0:
0x88: {  	s2 =	sld [smem:$0x3FD9]  }
0x89: {  	s3 =	sld [smem:$0x3FFE];
	_ =	sdelay $0x1  }
0x8a: {  	s1 =	srdreg.scid  }
0x8b: {  	s0 =	sand.u32 $0x1, s1  }
0x8c: {  	s17 =	sshll.u32 s0, $0xA;
	s2 =	sadd.s32 s3, s2  }
0x8d: {  	s2 =	sadd.s32 s2, s17  }
0x8e: {  	[smem:$0x3FC1] =	sst s2  }
0x8f: {  	_ = 	snop  }
0x90: {  	s2 =	sld [smem:$0x3FC9]  }
0x91: {  	s18 =	sld [smem:$0x3FC8]  }
0x92: {  	s4 =	sld [smem:$0x3FD0];
	(tm) =	ssettm $0x1  }
0x93: {  	s5 =	sld [smem:$0x3FFB];
	_ =	sdelay $0x3  }
0x94: {  	_ =	strace s5  }
0x95: {  	s5 =	sld [smem:$0x3FFC];
	_ =	sdelay $0x3  }
0x96: {  	_ =	strace s5  }
0x97: {  	s5 =	sld [smem:$0x3FFD];
	_ =	sdelay $0x3  }
0x98: {  	_ =	strace s5  }
0x99: {  	_ =	strace $0x8FFFFFFF  }
0x9a: {  	s19 =	sld [smem:$0x3FDB];
	_ =	sdelay $0x1  }
0x9b: {  	s6 =	simm.s32 $_scs_section_size  }
0x9c: {  	s7 =	simm.s32 $_size__tile_overlayer_lowered;
	s8 =	simm.s32 $_tile_overlayer_lowered  }
0x9d: {  	s22 =	simm.s32 $0x1BFF;
	s21 =	sshll.u32 s8, $0x1;
	s5 =	sadd.s32 s6, s19  }
0x9e: {  	s9 =	simm.s32 $0x0;
	s20 =	sshll.u32 s7, $0x1;
	s7 =	sadd.s32 s21, s5  }
0x9f: {  	[timem:s9], [sflag:s22] =	dma.local [hbm:s7], s20  }
0xa0: {  	_ =	swait.ge [sflag:s22], s20  }
0xa1: {  	s6 =	ssub.s32 $0x0, s20;
	[sflag:s22] =	ssyncset.done $0x0  }
0xa2: {  	[sflag:s22] =	ssyncadd.s32 s6;
	_ =	sdelay $0x1  }
0xa3: {  	s23 =	simm.s32 $0x1B8B  }
0xa4: {  	_ =	swait.ge [sflag:s23], $0x1  }
0xa5: {  	[sflag:s23] =	ssyncset.done $0x0  }
0xa6: {  	s25 =	simm.s32 $0x1B8E;
	s24 =	sld [smem:$0x3FFE];
	[sflag:s23] =	ssyncadd.s32 $0xFFFFFFFF  }
0xa7: {  	s26 =	simm.s32 $execute0_lowered;
	[smem:$0x3FD2] =	sst s25  }
0xa8: {  	s7 =	sshll.u32 s26, $0x1;
	_ =	strace $0x80000046;
	[dreg:$0x1] =	wrdreg $0xFFFFFFFF  }
0xa9: {  	s28 =	simm.s32 $_size_execute0_lowered;
	s5 =	sadd.s32 s5, s7;
	[dreg:$0x0] =	wrdreg $0x0  }
0xaa: {  	s7 =	sshll.u32 s28, $0x1;
	[dreg:$0x2] =	wrdreg s5  }
0xab: {  	[dreg:$0x3] =	wrdreg s7  }
0xac: {  	[dreg:$0x4] =	wrdreg $0xC0  }
0xad: {  	_ =	task [dreg:s9], $0x5FFFF  }
0xae: {  	[dreg:$0x1] =	wrdreg $0xFFFFFFFF  }
0xaf: {  	[dreg:$0x0] =	wrdreg $0x60  }
0xb0: {  	[dreg:$0x2] =	wrdreg s2  }
0xb1: {  	[dreg:$0x3] =	wrdreg s18  }
0xb2: {  	[dreg:$0x4] =	wrdreg s24  }
0xb3: {  	[dreg:$0x5] =	wrdreg s4  }
0xb4: {  	[dreg:$0x6] =	wrdreg $0x9  }
0xb5: {  	_ =	task.clear_ibuf [dreg:s9], $0x7FFFF;
	_ =	strace $0x90000046  }
0xb6: {  	s29 =	simm.s32 $0x9;
	_ =	strace $0x80000048  }
0xb7: {  	_ =	swait.ge [sflag:s29], $0x1  }
0xb8: {  	[sflag:s29] =	ssyncadd.s32 $0xFFFFFFFF  }
0xb9: {  	_ =	strace $0x90000048  }
0xba: {  	_ =	sfence  }
0xbb: {  	s30 =	sld [smem:$0x0];
	_ =	sdelay $0x2  }
0xbc: {  	s31 =	sshll.u32 s1, $0xD;
	s1 =	sshrl.u32 s1, $0x2  }
0xbd: {  	s3 =	sand.u32 $0x4000, s31;
	s1 =	sadd.s32 s1, s30  }
0xbe: {  	s0 =	sor.u32 s3, s0;
	s1 =	sshll.u32 s1, $0x11  }
0xbf: {  	s0 =	sor.u32 s1, s0  }
0xc0: {  	s0 =	sadd.s32 $0x8F2B, s0  }
0xc1: {  	[sflag:s0] =	ssyncadd.remote.s32 $0x1  }
0xc2: {  	_ =	sfence.sel $0xFFFF  }
0xc3: {  	[dreg:$0x0] =	wrdreg $0xFFFFFFFF;
	(pc) =	sbr.abs _section_cstart, $3  }
0xc4: {  	[dreg:$0x1] =	wrdreg $0xFFFFFFFF  }
0xc5: {  	_ =	task.clear_ibuf [dreg:s9], $0x2FFFF;
	_ =	strace $0x9FFFFFFF  }
0xc6: {  	(tm) =	ssettm $0x7FFFFFFF  }
0xc7: {  	_ =	shalt  }
tec
execute0_lowered:
.L_overlay_start_1:
0x0: {  	(tag) =	ssettag $0x1  }
0x1: {  	s0 =	rddreg [dreg:$0x0]  }
0x2: {  	s1 =	rddreg [dreg:$0x1]  }
0x3: {  	s7 =	rddreg [dreg:$0x2]  }
0x4: {  	s10 =	rddreg [dreg:$0x3]  }
0x5: {  	s2 =	srdreg.scid;
	s3 =	stileid.u32;
	s14 =	simm.s32 $0x200  }
0x6: {  	s15 =	simm.s32 $0x400;
	s16 =	simm.s32 $0x600;
	s17 =	simm.s32 $0x80  }
0x7: {  	s22 =	simm.s32 $0x180;
	s23 =	simm.s32 $0x3800;
	s24 =	simm.s32 $0x380  }
0x8: {  	s25 =	simm.s32 $0x7800;
	s28 =	simm.s32 $0xB800;
	s29 =	simm.s32 $0x780  }
0x9: {  	s30 =	simm.s32 $0xF800;
	s31 =	simm.s32 $0x1;
	s6 =	sand.u32 $0x1, s2  }
0xa: {  	s2 =	simm.s32 $0x0;
	s3 =	sshll.u32 s3, $0x3;
	s5 =	sadd.s32 $0x1200, s7  }
0xb: {  	s4 =	sshll.u32 s6, $0x2;
	[smem:$0x7FF] =	sst s2;
	s12 =	ssub.s32 $0x2, s6  }
0xc: {  	s6 =	sadd.s32 $0x187C00, s7;
	s8 =	sor.u32 s4, s3;
	_ =	strace $0x80000047  }
0xd: {  	s3 =	sadd.s32 $0x1314000, s7;
	s4 =	sadd.s32 $0xF43600, s7;
	s26 =	sshrl.u32 s12, $0x1  }
0xe: {  	s11 =	sshll.u32 s8, $0x4;
	s8 =	sshll.u32 s8, $0x8;
	s12 =	ssub.s32 s12, s26  }
0xf: {  	s26 =	simm.s32 $0x580;
	s9 =	sadd.s32 s11, s7;
	s13 =	sadd.s32 s8, s7  }
0x10: {  	s7 =	sadd.s32 s0, s11;
	s8 =	sadd.s32 s1, s11;
	s10 =	sadd.s32 s10, s11  }
0x11: {  	s12 =	smax.u32 s12, $0x1;
	s0 =	simm.s32 $0x10800;
	s1 =	simm.s32 $0x0  }
0x12: {  	s9 =	sadd.s32 $0xA00, s9;
	s11 =	sadd.s32 $0x2200, s13;
	s13 =	simm.s32 $0x2  }
.LBB2_1:
0x13: {  	[tilespmem:s2], [sflag:$0x2] =	stream.linear.gather [hbm4b:s7+s2], $0x200, $0x38;
	[tilespmem:$0x12800] =	vst v63  }
0x14: {  	_ =	swait.ge [sflag:s13], $0x200  }
0x15: {  	[sflag:s13] =	ssyncset.done $0x0  }
0x16: {  	[sflag:s13] =	ssyncadd.s32 $0xFFFFFE00  }
0x17: {  	[tilespmem:s14], [sflag:$0x2] =	stream.linear.gather [hbm4b:s8+s2], $0x200, $0x38;
	[tilespmem:$0x12800] =	vst v63  }
0x18: {  	_ =	swait.ge [sflag:s13], $0x200  }
0x19: {  	[sflag:s13] =	ssyncset.done $0x0  }
0x1a: {  	[sflag:s13] =	ssyncadd.s32 $0xFFFFFE00  }
0x1b: {  	[tilespmem:s15], [sflag:$0x2] =	stream.linear.gather [hbm4b:s9+s2], $0x200, $0x38;
	[tilespmem:$0x12800] =	vst v63  }
0x1c: {  	_ =	swait.ge [sflag:s13], $0x200  }
0x1d: {  	[sflag:s13] =	ssyncset.done $0x0  }
0x1e: {  	[sflag:s13] =	ssyncadd.s32 $0xFFFFFE00  }
0x1f: {  	[tilespmem:s16], [sflag:$0x2] =	stream.linear.gather [hbm4b:s10+s2], $0x200, $0x38;
	[tilespmem:$0x12800] =	vst v63  }
0x20: {  	_ =	swait.ge [sflag:s13], $0x200  }
0x21: {  	[sflag:s13] =	ssyncset.done $0x0  }
0x22: {  	s18 =	simm.s32 $0x800;
	[sflag:s13] =	ssyncadd.s32 $0xFFFFFE00  }
0x23: {  	[tilespmem:s18], [sflag:$0x1] =	stream.indirect.gather [hbm4b:s3+s17], $0x20, s2, s17, $0xb8;
	[tilespmem:$0x12800] =	vst v63  }
0x24: {  	s20 =	simm.s32 $0x4800  }
0x25: {  	[tilespmem:s20], [sflag:$0x1] =	stream.indirect.gather [hbm4b:s4+s17], $0x20, s14, s17, $0xb8;
	[tilespmem:$0x12800] =	vst v63  }
0x26: {  	s21 =	simm.s32 $0x8800  }
0x27: {  	[tilespmem:s21], [sflag:$0x1] =	stream.indirect.gather [hbm4b:s5+s17], $0x20, s15, s17, $0xb8;
	[tilespmem:$0x12800] =	vst v63  }
0x28: {  	s19 =	simm.s32 $0xC800  }
0x29: {  	[tilespmem:s19], [sflag:$0x1] =	stream.indirect.gather [hbm4b:s6+s17], $0x20, s16, s17, $0xb8;
	[tilespmem:$0x12800] =	vst v63  }
0x2a: {  	s20 =	simm.s32 $0x1800  }
0x2b: {  	[tilespmem:s20], [sflag:$0x1] =	stream.indirect.gather [hbm4b:s3+s17], $0x20, s17, s17, $0xb8;
	[tilespmem:$0x12800] =	vst v63  }
0x2c: {  	s21 =	simm.s32 $0x280;
	s19 =	simm.s32 $0x5800  }
0x2d: {  	[tilespmem:s19], [sflag:$0x1] =	stream.indirect.gather [hbm4b:s4+s17], $0x20, s21, s17, $0xb8;
	[tilespmem:$0x12800] =	vst v63  }
0x2e: {  	s20 =	simm.s32 $0x480;
	s21 =	simm.s32 $0x9800  }
0x2f: {  	[tilespmem:s21], [sflag:$0x1] =	stream.indirect.gather [hbm4b:s5+s17], $0x20, s20, s17, $0xb8;
	[tilespmem:$0x12800] =	vst v63  }
0x30: {  	s20 =	simm.s32 $0x680;
	s21 =	simm.s32 $0xD800  }
0x31: {  	[tilespmem:s21], [sflag:$0x1] =	stream.indirect.gather [hbm4b:s6+s17], $0x20, s20, s17, $0xb8;
	[tilespmem:$0x12800] =	vst v63  }
0x32: {  	s20 =	simm.s32 $0x100;
	s21 =	simm.s32 $0x2800  }
0x33: {  	[tilespmem:s21], [sflag:$0x1] =	stream.indirect.gather [hbm4b:s3+s17], $0x20, s20, s17, $0xb8;
	[tilespmem:$0x12800] =	vst v63  }
0x34: {  	s20 =	simm.s32 $0x300;
	s21 =	simm.s32 $0x6800  }
0x35: {  	[tilespmem:s21], [sflag:$0x1] =	stream.indirect.gather [hbm4b:s4+s17], $0x20, s20, s17, $0xb8;
	[tilespmem:$0x12800] =	vst v63  }
0x36: {  	s20 =	simm.s32 $0x500;
	s21 =	simm.s32 $0xA800  }
0x37: {  	[tilespmem:s21], [sflag:$0x1] =	stream.indirect.gather [hbm4b:s5+s17], $0x20, s20, s17, $0xb8;
	[tilespmem:$0x12800] =	vst v63  }
0x38: {  	s19 =	simm.s32 $0x700;
	s20 =	simm.s32 $0xE800  }
0x39: {  	[tilespmem:s20], [sflag:$0x1] =	stream.indirect.gather [hbm4b:s6+s17], $0x20, s19, s17, $0xb8;
	[tilespmem:$0x12800] =	vst v63  }
0x3a: {  	_ = 	snop  }
0x3b: {  	[tilespmem:s23], [sflag:$0x1] =	stream.indirect.gather [hbm4b:s3+s17], $0x20, s22, s17, $0xb8;
	[tilespmem:$0x12800] =	vst v63  }
0x3c: {  	_ = 	snop  }
0x3d: {  	[tilespmem:s25], [sflag:$0x1] =	stream.indirect.gather [hbm4b:s4+s17], $0x20, s24, s17, $0xb8;
	[tilespmem:$0x12800] =	vst v63  }
0x3e: {  	_ = 	snop  }
0x3f: {  	[tilespmem:s28], [sflag:$0x1] =	stream.indirect.gather [hbm4b:s5+s17], $0x20, s26, s17, $0xb8;
	[tilespmem:$0x12800] =	vst v63  }
0x40: {  	_ = 	snop  }
0x41: {  	[tilespmem:s30], [sflag:$0x1] =	stream.indirect.gather [hbm4b:s6+s17], $0x20, s29, s17, $0xb8;
	[tilespmem:$0x12800] =	vst v63  }
0x42: {  	_ =	swait.ge [sflag:s31], $0x1000  }
0x43: {  	[sflag:s31] =	ssyncset.done $0x0  }
0x44: {  	[sflag:s31] =	ssyncadd.s32 $0xFFFFF000  }
0x45: {  	_ =	swait.ge [sflag:s31], $0x1000  }
0x46: {  	[sflag:s31] =	ssyncset.done $0x0  }
0x47: {  	[sflag:s31] =	ssyncadd.s32 $0xFFFFF000  }
0x48: {  	_ =	swait.ge [sflag:s31], $0x1000  }
0x49: {  	[sflag:s31] =	ssyncset.done $0x0  }
0x4a: {  	[sflag:s31] =	ssyncadd.s32 $0xFFFFF000  }
0x4b: {  	_ =	swait.ge [sflag:s31], $0x1000  }
0x4c: {  	[sflag:s31] =	ssyncset.done $0x0  }
0x4d: {  	[sflag:s31] =	ssyncadd.s32 $0xFFFFF000  }
0x4e: {  	_ =	swait.ge [sflag:s31], $0x1000  }
0x4f: {  	[sflag:s31] =	ssyncset.done $0x0  }
0x50: {  	[sflag:s31] =	ssyncadd.s32 $0xFFFFF000  }
0x51: {  	_ =	swait.ge [sflag:s31], $0x1000  }
0x52: {  	[sflag:s31] =	ssyncset.done $0x0  }
0x53: {  	[sflag:s31] =	ssyncadd.s32 $0xFFFFF000  }
0x54: {  	_ =	swait.ge [sflag:s31], $0x1000  }
0x55: {  	[sflag:s31] =	ssyncset.done $0x0  }
0x56: {  	[sflag:s31] =	ssyncadd.s32 $0xFFFFF000  }
0x57: {  	_ =	swait.ge [sflag:s31], $0x1000  }
0x58: {  	[sflag:s31] =	ssyncset.done $0x0  }
0x59: {  	[sflag:s31] =	ssyncadd.s32 $0xFFFFF000  }
0x5a: {  	_ =	swait.ge [sflag:s31], $0x1000  }
0x5b: {  	[sflag:s31] =	ssyncset.done $0x0  }
0x5c: {  	[sflag:s31] =	ssyncadd.s32 $0xFFFFF000  }
0x5d: {  	_ =	swait.ge [sflag:s31], $0x1000  }
0x5e: {  	[sflag:s31] =	ssyncset.done $0x0  }
0x5f: {  	[sflag:s31] =	ssyncadd.s32 $0xFFFFF000  }
0x60: {  	_ =	swait.ge [sflag:s31], $0x1000  }
0x61: {  	[sflag:s31] =	ssyncset.done $0x0  }
0x62: {  	[sflag:s31] =	ssyncadd.s32 $0xFFFFF000  }
0x63: {  	_ =	swait.ge [sflag:s31], $0x1000  }
0x64: {  	[sflag:s31] =	ssyncset.done $0x0  }
0x65: {  	[sflag:s31] =	ssyncadd.s32 $0xFFFFF000  }
0x66: {  	_ =	swait.ge [sflag:s31], $0x1000  }
0x67: {  	[sflag:s31] =	ssyncset.done $0x0  }
0x68: {  	[sflag:s31] =	ssyncadd.s32 $0xFFFFF000  }
0x69: {  	_ =	swait.ge [sflag:s31], $0x1000  }
0x6a: {  	[sflag:s31] =	ssyncset.done $0x0  }
0x6b: {  	[sflag:s31] =	ssyncadd.s32 $0xFFFFF000  }
0x6c: {  	_ =	swait.ge [sflag:s31], $0x1000  }
0x6d: {  	[sflag:s31] =	ssyncset.done $0x0  }
0x6e: {  	[sflag:s31] =	ssyncadd.s32 $0xFFFFF000  }
0x6f: {  	_ =	swait.ge [sflag:s31], $0x1000  }
0x70: {  	[sflag:s31] =	ssyncset.done $0x0  }
0x71: {  	s21 =	simm.s32 $0x0;
	[sflag:s31] =	ssyncadd.s32 $0xFFFFF000  }
0x72: {  	v0 =	vld [tilespmem:s21+$0x4800]  }
0x73: {  	v1 =	vld [tilespmem:s21+$0x8800]  }
0x74: {  	v2 =	vld [tilespmem:s21+$0x4810]  }
0x75: {  	v3 =	vld [tilespmem:s21+$0x8810]  }
0x76: {  	v4 =	vld [tilespmem:s21+$0xC800]  }
0x77: {  	v5 =	vld [tilespmem:s21+$0xC810]  }
0x78: {  	v6 =	vld [tilespmem:s21+$0x800]  }
0x79: {  	v7 =	vld [tilespmem:s21+$0x810]  }
0x7a: {  	v0 =	vadd.f32 v1, v0;
	v1 =	vadd.f32 v3, v2;
	_ =	sdelay $0x1  }
0x7b: {  	v0 =	vadd.f32 v4, v0;
	v1 =	vadd.f32 v5, v1;
	_ =	sdelay $0x1  }
0x7c: {  	v0 =	vmul.f32 v0, v6;
	v1 =	vmul.f32 v1, v7;
	_ =	sdelay $0x1  }
0x7d: {  	v0 =	vadd.f32 v1, v0;
	_ =	sdelay $0x1  }
0x7e: {  	s20 =	simm.s32 $0x20;
	[tilespmem:s0+$0x0] =	vst v0  }
0x7f: {  	v0 =	vld [tilespmem:s20+$0x4800]  }
0x80: {  	v1 =	vld [tilespmem:s20+$0x8800]  }
0x81: {  	s18 =	simm.s32 $0x10800;
	s19 =	simm.s32 $0x100;
	v2 =	vld [tilespmem:s20+$0x4810]  }
.LBB2_2:
0x82: {  	p0 =	sne.s32 s19, $0x3F80;
	v3 =	vld [tilespmem:s20+$0x8810]  }
0x83: {  	v4 =	vld [tilespmem:s20+$0xC800]  }
0x84: {  	v5 =	vld [tilespmem:s20+$0xC810]  }
0x85: {  	v6 =	vld [tilespmem:s20+$0x800]  }
0x86: {  	v7 =	vld [tilespmem:s20+$0x810]  }
0x87: {  	v0 =	vadd.f32 v1, v0;
	v1 =	vadd.f32 v3, v2;
	_ =	sdelay $0x1  }
0x88: {  	v0 =	vadd.f32 v4, v0;
	v1 =	vadd.f32 v5, v1;
	_ =	sdelay $0x1  }
0x89: {  	v0 =	vmul.f32 v0, v6;
	v1 =	vmul.f32 v1, v7;
	_ =	sdelay $0x1  }
0x8a: {  	v0 =	vadd.f32 v1, v0  }
.Ltmp0:
0x8b: {  	s18 =	sadd.s32 $0x10, s18;
	(pc) =	sbr.rel @p0 .LBB2_2-.Ltmp0, $4  }
0x8c: {  	s20 =	sshra.s32 s19, $0x2;
	[tilespmem:s18+$0x0] =	vst v0  }
0x8d: {  	v0 =	vld [tilespmem:s20+$0x4800]  }
0x8e: {  	v1 =	vld [tilespmem:s20+$0x8800]  }
0x8f: {  	s19 =	sadd.s32 $0x80, s19;
	v2 =	vld [tilespmem:s20+$0x4810]  }
0x90: {  	v3 =	vld [tilespmem:s20+$0x8810]  }
0x91: {  	v4 =	vld [tilespmem:s20+$0xC800]  }
0x92: {  	v5 =	vld [tilespmem:s20+$0xC810]  }
0x93: {  	v6 =	vld [tilespmem:s20+$0x800]  }
0x94: {  	v7 =	vld [tilespmem:s20+$0x810]  }
0x95: {  	v0 =	vadd.f32 v1, v0;
	v1 =	vadd.f32 v3, v2;
	_ =	sdelay $0x1  }
0x96: {  	v0 =	vadd.f32 v4, v0;
	v1 =	vadd.f32 v5, v1;
	_ =	sdelay $0x1  }
0x97: {  	v0 =	vmul.f32 v0, v6;
	v1 =	vmul.f32 v1, v7;
	_ =	sdelay $0x1  }
0x98: {  	v0 =	vadd.f32 v1, v0  }
0x99: {  	s18 =	sadd.s32 $0x10, s18  }
0x9a: {  	[tilespmem:s18+$0x0] =	vst v0;
	s18 =	simm.s32 $0x0  }
0x9b: {  	v0 =	vld [tilespmem:s18+$0x5800]  }
0x9c: {  	v1 =	vld [tilespmem:s18+$0x9800]  }
0x9d: {  	v2 =	vld [tilespmem:s18+$0x5810]  }
0x9e: {  	v3 =	vld [tilespmem:s18+$0x9810]  }
0x9f: {  	v60 =	vld [tilespmem:s18+$0xD800]  }
0xa0: {  	v61 =	vld [tilespmem:s18+$0xD810]  }
0xa1: {  	v62 =	vld [tilespmem:s18+$0x1800]  }
0xa2: {  	v63 =	vld [tilespmem:s18+$0x1810]  }
0xa3: {  	v0 =	vadd.f32 v1, v0;
	v1 =	vadd.f32 v3, v2;
	_ =	sdelay $0x1  }
0xa4: {  	v0 =	vadd.f32 v60, v0;
	v1 =	vadd.f32 v61, v1;
	_ =	sdelay $0x1  }
0xa5: {  	v0 =	vmul.f32 v0, v62;
	v1 =	vmul.f32 v1, v63;
	_ =	sdelay $0x1  }
0xa6: {  	v0 =	vadd.f32 v1, v0  }
0xa7: {  	s19 =	simm.s32 $0x11000  }
0xa8: {  	s21 =	simm.s32 $0x20;
	[tilespmem:s19+$0x0] =	vst v0  }
0xa9: {  	v0 =	vld [tilespmem:s21+$0x5800]  }
0xaa: {  	v1 =	vld [tilespmem:s21+$0x9800]  }
0xab: {  	s20 =	simm.s32 $0x100;
	v2 =	vld [tilespmem:s21+$0x5810]  }
.LBB2_4:
0xac: {  	p0 =	sne.s32 s20, $0x3F80;
	v3 =	vld [tilespmem:s21+$0x9810]  }
0xad: {  	v4 =	vld [tilespmem:s21+$0xD800]  }
0xae: {  	v5 =	vld [tilespmem:s21+$0xD810]  }
0xaf: {  	v6 =	vld [tilespmem:s21+$0x1800]  }
0xb0: {  	v7 =	vld [tilespmem:s21+$0x1810]  }
0xb1: {  	v0 =	vadd.f32 v1, v0;
	v1 =	vadd.f32 v3, v2;
	_ =	sdelay $0x1  }
0xb2: {  	v0 =	vadd.f32 v4, v0;
	v1 =	vadd.f32 v5, v1;
	_ =	sdelay $0x1  }
0xb3: {  	v0 =	vmul.f32 v0, v6;
	v1 =	vmul.f32 v1, v7;
	_ =	sdelay $0x1  }
0xb4: {  	v0 =	vadd.f32 v1, v0  }
.Ltmp1:
0xb5: {  	s19 =	sadd.s32 $0x10, s19;
	(pc) =	sbr.rel @p0 .LBB2_4-.Ltmp1, $4  }
0xb6: {  	s21 =	sshra.s32 s20, $0x2;
	[tilespmem:s19+$0x0] =	vst v0  }
0xb7: {  	v0 =	vld [tilespmem:s21+$0x5800]  }
0xb8: {  	v1 =	vld [tilespmem:s21+$0x9800]  }
0xb9: {  	s20 =	sadd.s32 $0x80, s20;
	v2 =	vld [tilespmem:s21+$0x5810]  }
0xba: {  	v3 =	vld [tilespmem:s21+$0x9810]  }
0xbb: {  	v4 =	vld [tilespmem:s21+$0xD800]  }
0xbc: {  	v5 =	vld [tilespmem:s21+$0xD810]  }
0xbd: {  	v6 =	vld [tilespmem:s21+$0x1800]  }
0xbe: {  	v7 =	vld [tilespmem:s21+$0x1810]  }
0xbf: {  	v0 =	vadd.f32 v1, v0;
	v1 =	vadd.f32 v3, v2;
	_ =	sdelay $0x1  }
0xc0: {  	v0 =	vadd.f32 v4, v0;
	v1 =	vadd.f32 v5, v1;
	_ =	sdelay $0x1  }
0xc1: {  	v0 =	vmul.f32 v0, v6;
	v1 =	vmul.f32 v1, v7;
	_ =	sdelay $0x1  }
0xc2: {  	v0 =	vadd.f32 v1, v0  }
0xc3: {  	s19 =	sadd.s32 $0x10, s19  }
0xc4: {  	[tilespmem:s19+$0x0] =	vst v0  }
0xc5: {  	v0 =	vld [tilespmem:s18+$0x6800]  }
0xc6: {  	v1 =	vld [tilespmem:s18+$0xA800]  }
0xc7: {  	v2 =	vld [tilespmem:s18+$0x6810]  }
0xc8: {  	v3 =	vld [tilespmem:s18+$0xA810]  }
0xc9: {  	v60 =	vld [tilespmem:s18+$0xE800]  }
0xca: {  	v61 =	vld [tilespmem:s18+$0xE810]  }
0xcb: {  	v62 =	vld [tilespmem:s18+$0x2800]  }
0xcc: {  	v63 =	vld [tilespmem:s18+$0x2810]  }
0xcd: {  	v0 =	vadd.f32 v1, v0;
	v1 =	vadd.f32 v3, v2;
	_ =	sdelay $0x1  }
0xce: {  	v0 =	vadd.f32 v60, v0;
	v1 =	vadd.f32 v61, v1;
	_ =	sdelay $0x1  }
0xcf: {  	v0 =	vmul.f32 v0, v62;
	v1 =	vmul.f32 v1, v63;
	_ =	sdelay $0x1  }
0xd0: {  	v0 =	vadd.f32 v1, v0  }
0xd1: {  	s18 =	simm.s32 $0x11800  }
0xd2: {  	s20 =	simm.s32 $0x20;
	[tilespmem:s18+$0x0] =	vst v0  }
0xd3: {  	v0 =	vld [tilespmem:s20+$0x6800]  }
0xd4: {  	v1 =	vld [tilespmem:s20+$0xA800]  }
0xd5: {  	s19 =	simm.s32 $0x100;
	v2 =	vld [tilespmem:s20+$0x6810]  }
.LBB2_6:
0xd6: {  	p0 =	sne.s32 s19, $0x3F80;
	v3 =	vld [tilespmem:s20+$0xA810]  }
0xd7: {  	v4 =	vld [tilespmem:s20+$0xE800]  }
0xd8: {  	v5 =	vld [tilespmem:s20+$0xE810]  }
0xd9: {  	v6 =	vld [tilespmem:s20+$0x2800]  }
0xda: {  	v7 =	vld [tilespmem:s20+$0x2810]  }
0xdb: {  	v0 =	vadd.f32 v1, v0;
	v1 =	vadd.f32 v3, v2;
	_ =	sdelay $0x1  }
0xdc: {  	v0 =	vadd.f32 v4, v0;
	v1 =	vadd.f32 v5, v1;
	_ =	sdelay $0x1  }
0xdd: {  	v0 =	vmul.f32 v0, v6;
	v1 =	vmul.f32 v1, v7;
	_ =	sdelay $0x1  }
0xde: {  	v0 =	vadd.f32 v1, v0  }
.Ltmp2:
0xdf: {  	s18 =	sadd.s32 $0x10, s18;
	(pc) =	sbr.rel @p0 .LBB2_6-.Ltmp2, $4  }
0xe0: {  	s20 =	sshra.s32 s19, $0x2;
	[tilespmem:s18+$0x0] =	vst v0  }
0xe1: {  	v0 =	vld [tilespmem:s20+$0x6800]  }
0xe2: {  	v1 =	vld [tilespmem:s20+$0xA800]  }
0xe3: {  	s19 =	sadd.s32 $0x80, s19;
	v2 =	vld [tilespmem:s20+$0x6810]  }
0xe4: {  	v3 =	vld [tilespmem:s20+$0xA810]  }
0xe5: {  	v4 =	vld [tilespmem:s20+$0xE800]  }
0xe6: {  	v5 =	vld [tilespmem:s20+$0xE810]  }
0xe7: {  	v6 =	vld [tilespmem:s20+$0x2800]  }
0xe8: {  	v7 =	vld [tilespmem:s20+$0x2810]  }
0xe9: {  	v0 =	vadd.f32 v1, v0;
	v1 =	vadd.f32 v3, v2;
	_ =	sdelay $0x1  }
0xea: {  	v0 =	vadd.f32 v4, v0;
	v1 =	vadd.f32 v5, v1;
	_ =	sdelay $0x1  }
0xeb: {  	v0 =	vmul.f32 v0, v6;
	v1 =	vmul.f32 v1, v7;
	_ =	sdelay $0x1  }
0xec: {  	v0 =	vadd.f32 v1, v0  }
0xed: {  	s18 =	sadd.s32 $0x10, s18  }
0xee: {  	s21 =	simm.s32 $0x0;
	[tilespmem:s18+$0x0] =	vst v0  }
0xef: {  	v0 =	vld [tilespmem:s21+$0x7800]  }
0xf0: {  	v1 =	vld [tilespmem:s21+$0xB800]  }
0xf1: {  	v2 =	vld [tilespmem:s21+$0x7810]  }
0xf2: {  	v3 =	vld [tilespmem:s21+$0xB810]  }
0xf3: {  	v60 =	vld [tilespmem:s21+$0xF800]  }
0xf4: {  	v61 =	vld [tilespmem:s21+$0xF810]  }
0xf5: {  	v62 =	vld [tilespmem:s21+$0x3800]  }
0xf6: {  	v63 =	vld [tilespmem:s21+$0x3810]  }
0xf7: {  	v0 =	vadd.f32 v1, v0;
	v1 =	vadd.f32 v3, v2;
	_ =	sdelay $0x1  }
0xf8: {  	v0 =	vadd.f32 v60, v0;
	v1 =	vadd.f32 v61, v1;
	_ =	sdelay $0x1  }
0xf9: {  	v0 =	vmul.f32 v0, v62;
	v1 =	vmul.f32 v1, v63;
	_ =	sdelay $0x1  }
0xfa: {  	v0 =	vadd.f32 v1, v0  }
0xfb: {  	s18 =	simm.s32 $0x12000  }
0xfc: {  	s20 =	simm.s32 $0x20;
	[tilespmem:s18+$0x0] =	vst v0  }
0xfd: {  	v0 =	vld [tilespmem:s20+$0x7800]  }
0xfe: {  	v1 =	vld [tilespmem:s20+$0xB800]  }
0xff: {  	s19 =	simm.s32 $0x100;
	v2 =	vld [tilespmem:s20+$0x7810]  }
.LBB2_8:
0x100: {  	p0 =	sne.s32 s19, $0x3F80;
	v3 =	vld [tilespmem:s20+$0xB810]  }
0x101: {  	v4 =	vld [tilespmem:s20+$0xF800]  }
0x102: {  	v5 =	vld [tilespmem:s20+$0xF810]  }
0x103: {  	v6 =	vld [tilespmem:s20+$0x3800]  }
0x104: {  	v7 =	vld [tilespmem:s20+$0x3810]  }
0x105: {  	v0 =	vadd.f32 v1, v0;
	v1 =	vadd.f32 v3, v2;
	_ =	sdelay $0x1  }
0x106: {  	v0 =	vadd.f32 v4, v0;
	v1 =	vadd.f32 v5, v1;
	_ =	sdelay $0x1  }
0x107: {  	v0 =	vmul.f32 v0, v6;
	v1 =	vmul.f32 v1, v7;
	_ =	sdelay $0x1  }
0x108: {  	v0 =	vadd.f32 v1, v0  }
.Ltmp3:
0x109: {  	s18 =	sadd.s32 $0x10, s18;
	(pc) =	sbr.rel @p0 .LBB2_8-.Ltmp3, $4  }
0x10a: {  	s20 =	sshra.s32 s19, $0x2;
	[tilespmem:s18+$0x0] =	vst v0  }
0x10b: {  	v0 =	vld [tilespmem:s20+$0x7800]  }
0x10c: {  	v1 =	vld [tilespmem:s20+$0xB800]  }
0x10d: {  	s19 =	sadd.s32 $0x80, s19;
	v2 =	vld [tilespmem:s20+$0x7810]  }
0x10e: {  	v3 =	vld [tilespmem:s20+$0xB810]  }
0x10f: {  	v4 =	vld [tilespmem:s20+$0xF800]  }
0x110: {  	v5 =	vld [tilespmem:s20+$0xF810]  }
0x111: {  	v6 =	vld [tilespmem:s20+$0x3800]  }
0x112: {  	v7 =	vld [tilespmem:s20+$0x3810]  }
0x113: {  	v0 =	vadd.f32 v1, v0;
	v63 =	vadd.f32 v3, v2;
	_ =	sdelay $0x1  }
0x114: {  	v0 =	vadd.f32 v4, v0;
	v1 =	vadd.f32 v5, v63;
	_ =	sdelay $0x1  }
0x115: {  	v0 =	vmul.f32 v0, v6;
	v1 =	vmul.f32 v1, v7;
	_ =	sdelay $0x1  }
0x116: {  	s1 =	sadd.s32 $0x1, s1;
	v0 =	vadd.f32 v1, v0  }
0x117: {  	s18 =	sadd.s32 $0x10, s18;
	p0 =	sne.s32 s1, s12  }
.Ltmp4:
0x118: {  	[tilespmem:s18+$0x0] =	vst v0;
	(pc) =	sbr.rel @p0 .LBB2_1-.Ltmp4, $4  }
0x119: {  	[hbm4b:s11+s2] =	stream.linear.scatter [tilespmem:s0], [sflag:$0x2], $0x2000, $0x38;
	[tilespmem:$0x12800] =	vst v63  }
0x11a: {  	_ =	swait.ge [sflag:s13], $0x2000  }
0x11b: {  	[sflag:s13] =	ssyncset.done $0x0  }
0x11c: {  	[sflag:s13] =	ssyncadd.s32 $0xFFFFE000  }
0x11d: {  	_ =	sfence.sel $0x180000  }
0x11e: {  	[bflag:$0x0] =	sbarrier.arrive $0xFFFF  }
0x11f: {  	_ =	strace $0x90000047  }
0x120: {  	s0 =	stileid.u32;
	[bflag:$0x2] =	sbarrier.arrive $0xFFFF  }
0x121: {  	p0 =	sne.s32 s0, $0x0;
	s0 =	rddreg [dreg:$0x4]  }
0x122: {  	s0 =	sadd.s32 @!p0 $0x100000, s0  }
0x123: {  	[sflag:s0] =	ssyncadd.tile.s32 @!p0 $0x1;
	_ =	shalt  }
.Lfunc_end2:
_tile_overlayer_lowered:
.L_overlay_start_2:
0x124: {  	(tag) =	ssettag $0x2  }
0x125: {  	s0 =	rddreg [dreg:$0x0];
	s2 =	stileid.u32  }
0x126: {  	s1 =	rddreg [dreg:$0x1];
	p0 =	sne.s32 s2, $0x0  }
0x127: {  	s3 =	rddreg [dreg:$0x2];
	[bflag:$0x3] =	sbarrier.arrive $0xFFFF;
	s2 =	simm.s32 @!p0 $0x1C02  }
0x128: {  	[timem:s3], [sflag:s2] =	dma.local @!p0 [hbm:s0], s1  }
0x129: {  	s0 =	simm.s32 @!p0 $0x2  }
0x12a: {  	_ =	swait.ge @!p0 [sflag:s0], s1  }
0x12b: {  	s1 =	ssub.s32 @!p0 $0x0, s1;
	[sflag:s0] =	ssyncset.done @!p0 $0x0  }
0x12c: {  	[sflag:s0] =	ssyncadd.s32 @!p0 s1  }
0x12d: {  	[bflag:$0x3] =	sbarrier.arrive $0xFFFF  }
0x12e: {  	_ =	shalt  }

</sc_bundles>
